<compile_context>
chip_gen: v7x
topology: tpu7x:2x2x1
jax: 0.10.2.dev20260603
libtpu: 0.0.44.dev20260713+nightly
codegen_flags: <defaults>
</compile_context>

<pallas_src>
import functools

import jax
import jax.numpy as jnp
from jax import lax
from jax.experimental import pallas as pl
from jax.experimental.pallas import tpu as pltpu
from jax.experimental.pallas import tpu_sc as plsc

VOCAB = 1025
DIM = 64
NPAIR = DIM // 2
BATCH = 16384
WINDOW = 200
WPAD = 208
LANES = 16
NCORE = 2
NSUB = 16
NWORK = NCORE * NSUB
NB_PER_W = BATCH // NWORK
CB = 64
NCHUNK = NB_PER_W // CB
HIMASK = -65536


def _sc_pool(tp_flat, y):
    mesh = plsc.VectorSubcoreMesh(
        core_axis_name="c", subcore_axis_name="s",
        num_cores=NCORE, num_subcores=NSUB)

    @functools.partial(
        pl.kernel,
        out_type=jax.ShapeDtypeStruct((BATCH, DIM), jnp.float32),
        mesh=mesh,
        compiler_params=pltpu.CompilerParams(
            use_tc_tiling_on_sc=False, needs_layout_passes=False),
        scratch_types=[
            pltpu.VMEM((VOCAB * NPAIR,), jnp.int32),
            pltpu.VMEM((2, CB, WPAD), jnp.int32),
            pltpu.VMEM((2, CB, DIM), jnp.float32),
            pltpu.SemaphoreType.DMA,
            pltpu.SemaphoreType.DMA,
            pltpu.SemaphoreType.DMA,
            pltpu.SemaphoreType.DMA,
        ],
    )
    def k(tp_hbm, y_hbm, out_hbm, tpv, yv2, ov2, ys0, ys1, os0, os1):
        wid = lax.axis_index("s") * NCORE + lax.axis_index("c")
        row_base = wid * NB_PER_W
        pltpu.sync_copy(tp_hbm, tpv)

        ev_idx = lax.iota(jnp.int32, LANES) * 2
        ysems = (ys0, ys1)
        osems = (os0, os1)

        def start_y(ci, buf):
            pltpu.async_copy(
                y_hbm.at[pl.ds(row_base + ci * CB, CB), :],
                yv2.at[buf, :, pl.ds(0, WINDOW)], ysems[buf])

        def do_row(bl, carry, yv, outv):
            del carry
            def pair(accs, idxv, u):
                ae0, ao0, ae1, ao1 = accs
                lo, hi = [], []
                for q in range(4):
                    b = pl.multiple_of(idxv[u + q] * NPAIR, LANES)
                    lo.append(plsc.bitcast(
                        tpv[pl.ds(b, LANES)], jnp.bfloat16))
                    hi.append(plsc.bitcast(
                        tpv[pl.ds(pl.multiple_of(b + LANES, LANES), LANES)],
                        jnp.bfloat16))
                s0 = plsc.bitcast((lo[0] + lo[1]) + (lo[2] + lo[3]),
                                  jnp.int32)
                s1 = plsc.bitcast((hi[0] + hi[1]) + (hi[2] + hi[3]),
                                  jnp.int32)
                ae0 = ae0 + lax.bitcast_convert_type(s0 << 16, jnp.float32)
                ao0 = ao0 + lax.bitcast_convert_type(s0 & HIMASK,
                                                     jnp.float32)
                ae1 = ae1 + lax.bitcast_convert_type(s1 << 16, jnp.float32)
                ao1 = ao1 + lax.bitcast_convert_type(s1 & HIMASK,
                                                     jnp.float32)
                return ae0, ao0, ae1, ao1

            def do_w(i, accs8):
                a, b = accs8[:4], accs8[4:]
                idxv = yv[bl, pl.ds(pl.multiple_of(i * LANES, LANES),
                                    LANES)]
                for u in range(0, LANES, 8):
                    a = pair(a, idxv, u)
                    b = pair(b, idxv, u + 4)
                return (*a, *b)

            z = jnp.zeros((LANES,), jnp.float32)
            accs8 = lax.fori_loop(
                0, WINDOW // LANES, do_w, (z,) * 8)
            a, b = accs8[:4], accs8[4:]
            idxv = yv[bl, pl.ds(12 * LANES, LANES)]
            for u in range(0, WINDOW - 12 * LANES, 8):
                a = pair(a, idxv, u)
                b = pair(b, idxv, u + 4)
            ae0, ao0, ae1, ao1 = (x + y for x, y in zip(a, b))

            blv = jnp.broadcast_to(bl, (LANES,))
            sc = 1.0 / WINDOW
            plsc.store_scatter(outv, [blv, ev_idx], ae0 * sc)
            plsc.store_scatter(outv, [blv, ev_idx + 1], ao0 * sc)
            plsc.store_scatter(outv, [blv, ev_idx + NPAIR], ae1 * sc)
            plsc.store_scatter(outv, [blv, ev_idx + (NPAIR + 1)], ao1 * sc)
            return 0

        start_y(0, 0)
        start_y(1, 1)

        def do_pair(cp, _):
            for buf in (0, 1):
                ci = cp * 2 + buf
                yv = yv2.at[buf]
                outv = ov2.at[buf]
                pltpu.make_async_copy(
                    y_hbm.at[pl.ds(row_base + ci * CB, CB), :],
                    yv2.at[buf, :, pl.ds(0, WINDOW)], ysems[buf]).wait()

                @pl.when(ci >= 2)
                def _():
                    pltpu.make_async_copy(
                        ov2.at[buf],
                        out_hbm.at[pl.ds(row_base + (ci - 2) * CB, CB), :],
                        osems[buf]).wait()

                lax.fori_loop(0, CB, functools.partial(
                    do_row, yv=yv, outv=outv), 0)
                pltpu.async_copy(
                    ov2.at[buf],
                    out_hbm.at[pl.ds(row_base + ci * CB, CB), :],
                    osems[buf])

                @pl.when(ci + 2 < NCHUNK)
                def _():
                    start_y(ci + 2, buf)
            return 0

        lax.fori_loop(0, NCHUNK // 2, do_pair, 0)
        for buf in (0, 1):
            pltpu.make_async_copy(
                ov2.at[buf],
                out_hbm.at[pl.ds(row_base + (NCHUNK - 2 + buf) * CB, CB), :],
                osems[buf]).wait()

    return k(tp_flat, y)


def kernel(y, table):
    t0 = table.at[0].set(0.0)
    tb = t0.astype(jnp.bfloat16).reshape(VOCAB, NPAIR, 2)
    tp = lax.bitcast_convert_type(tb, jnp.int32).reshape(VOCAB * NPAIR)
    return _sc_pool(tp, y.astype(jnp.int32))

# --- scband reference (transcript-rebuilt; emitter-appended) ---
"""Pipeline reference for scband-e-y-39685497815849 (READ-ONLY COPY).

The authoritative reference and input builder live on the scoring server;
editing this copy changes nothing except your own understanding.
"""

import jax, jax.numpy as jnp
import numpy as np

VOCAB = 4 ** 5 + 1  # 1025
EMB_DIM = 64
BATCH = 16384
WINDOW = 200


def setup_inputs(seed: int = 0) -> dict:
    key = jax.random.key(seed)
    k1, k2 = jax.random.split(key)
    y = jax.random.randint(k1, (BATCH, WINDOW), 0, VOCAB, dtype=jnp.int64 if jax.config.jax_enable_x64 else jnp.int32)
    table = jax.random.normal(k2, (VOCAB, EMB_DIM), dtype=jnp.float32)
    return {"y": y, "table": table}


def reference(y, table):
    # padding_idx=0: row 0 of the embedding table is zero
    t = table.at[0].set(0.0)
    embedded = jnp.take(t, y, axis=0)  # [B, W, D]
    return jnp.mean(embedded, axis=1)  # [B, D]

if __name__ == "__main__":
    import jax
    _d = setup_inputs()
    print(jax.jit(kernel)(*tuple(_d.values())))

</pallas_src>

<mosaic_0001>
#map = affine_map<(d0, d1) -> (0)>
#map1 = affine_map<(d0, d1) -> (0, 0)>
module attributes {stable_mosaic.version = 14 : i64} {
  func.func @k(%arg0: i32, %arg1: i32, %arg2: memref<32800xi32, #tpu.memory_space<hbm>>, %arg3: memref<16384x200xi32, #tpu.memory_space<hbm>>, %arg4: memref<16384x64xf32, #tpu.memory_space<hbm>>, %arg5: memref<32800xi32, #tpu.memory_space<vmem>>, %arg6: memref<2x64x208xi32, #tpu.memory_space<vmem>>, %arg7: memref<2x64x64xf32, #tpu.memory_space<vmem>>, %arg8: memref<!tpu.dma_semaphore, #tpu.memory_space<semaphore_mem>>, %arg9: memref<!tpu.dma_semaphore, #tpu.memory_space<semaphore_mem>>, %arg10: memref<!tpu.dma_semaphore, #tpu.memory_space<semaphore_mem>>, %arg11: memref<!tpu.dma_semaphore, #tpu.memory_space<semaphore_mem>>) attributes {dimension_semantics = [#tpu.dimension_semantics<core_parallel>, #tpu.dimension_semantics<subcore_parallel>], iteration_bounds = array<i64: 2, 16>, scalar_prefetch = 0 : i64, scratch_operands = 7 : i64, tpu.core_type = #tpu.core_type<sc_vector_subcore>, window_params = [{transform_indices = #map}, {transform_indices = #map1}, {transform_indices = #map1}]} {
    %mul3A = arith.constant 2 : i32
    %mul3A_0 = arith.muli %arg1, %mul3A : i32
    %add3A = arith.addi %mul3A_0, %arg0 : i32
    %mul3A_1 = arith.constant 512 : i32
    %mul3A_2 = arith.muli %add3A, %mul3A_1 : i32
    "tpu.region"() ({
      %run_scoped3A = tpu.sem_alloc : memref<!tpu.dma_semaphore, #tpu.memory_space<semaphore_mem>>
      tpu.enqueue_dma source(%arg2 : memref<32800xi32, #tpu.memory_space<hbm>>) target(%arg5 : memref<32800xi32, #tpu.memory_space<vmem>>) target_semaphore(%run_scoped3A : memref<!tpu.dma_semaphore, #tpu.memory_space<semaphore_mem>>)
      tpu.wait_dma2 semaphore(%run_scoped3A : memref<!tpu.dma_semaphore, #tpu.memory_space<semaphore_mem>>) src(%arg2 : memref<32800xi32, #tpu.memory_space<hbm>>) dst(%arg5 : memref<32800xi32, #tpu.memory_space<vmem>>)
      tpu.yield
    }) : () -> ()
    %iota3A = tpu.iota {dimensions = array<i32: 0>} : vector<16xi32>
    %mul3A_3 = arith.constant 2 : i32
    %mul3A_4 = vector.broadcast %mul3A_3 : i32 to vector<16xi32>
    %mul3A_5 = arith.muli %iota3A, %mul3A_4 : vector<16xi32>
    %add3A_6 = arith.constant 0 : i32
    %add3A_7 = arith.addi %mul3A_2, %add3A_6 : i32
    %dma_start3A = arith.constant 0 : i32
    %dma_start3A_8 = arith.constant 0 : i32
    %dma_start3A_9 = arith.constant 0 : i32
    %dma_start3A_10 = tpu.memref_slice %arg6[%dma_start3A, %dma_start3A_8, %dma_start3A_9] : memref<2x64x208xi32, #tpu.memory_space<vmem>> -> memref<1x64x200xi32, #tpu.memory_space<vmem>>
    %dma_start3A_11 = tpu.memref_squeeze %dma_start3A_10 : memref<1x64x200xi32, #tpu.memory_space<vmem>> -> memref<64x200xi32, #tpu.memory_space<vmem>>
    %dma_start3A_12 = arith.constant 0 : i32
    %dma_start3A_13 = tpu.memref_slice %arg3[%add3A_7, %dma_start3A_12] : memref<16384x200xi32, #tpu.memory_space<hbm>> -> memref<64x200xi32, #tpu.memory_space<hbm>>
    %dma_start3A_14 = arith.constant 0 : i32
    %dma_start3A_15 = arith.constant 0 : i32
    %dma_start3A_16 = tpu.memref_slice %arg6[%dma_start3A, %dma_start3A_14, %dma_start3A_15] : memref<2x64x208xi32, #tpu.memory_space<vmem>> -> memref<1x64x200xi32, #tpu.memory_space<vmem>>
    %dma_start3A_17 = tpu.memref_squeeze %dma_start3A_16 : memref<1x64x200xi32, #tpu.memory_space<vmem>> -> memref<64x200xi32, #tpu.memory_space<vmem>>
    %dma_start3A_18 = arith.constant 0 : i32
    %dma_start3A_19 = tpu.memref_slice %arg3[%add3A_7, %dma_start3A_18] : memref<16384x200xi32, #tpu.memory_space<hbm>> -> memref<64x200xi32, #tpu.memory_space<hbm>>
    tpu.enqueue_dma source(%dma_start3A_19 : memref<64x200xi32, #tpu.memory_space<hbm>>) target(%dma_start3A_17 : memref<64x200xi32, #tpu.memory_space<vmem>>) target_semaphore(%arg8 : memref<!tpu.dma_semaphore, #tpu.memory_space<semaphore_mem>>)
    %add3A_20 = arith.constant 64 : i32
    %add3A_21 = arith.addi %mul3A_2, %add3A_20 : i32
    %dma_start3A_22 = arith.constant 1 : i32
    %dma_start3A_23 = arith.constant 0 : i32
    %dma_start3A_24 = arith.constant 0 : i32
    %dma_start3A_25 = tpu.memref_slice %arg6[%dma_start3A_22, %dma_start3A_23, %dma_start3A_24] : memref<2x64x208xi32, #tpu.memory_space<vmem>> -> memref<1x64x200xi32, #tpu.memory_space<vmem>>
    %dma_start3A_26 = tpu.memref_squeeze %dma_start3A_25 : memref<1x64x200xi32, #tpu.memory_space<vmem>> -> memref<64x200xi32, #tpu.memory_space<vmem>>
    %dma_start3A_27 = arith.constant 0 : i32
    %dma_start3A_28 = tpu.memref_slice %arg3[%add3A_21, %dma_start3A_27] : memref<16384x200xi32, #tpu.memory_space<hbm>> -> memref<64x200xi32, #tpu.memory_space<hbm>>
    %dma_start3A_29 = arith.constant 0 : i32
    %dma_start3A_30 = arith.constant 0 : i32
    %dma_start3A_31 = tpu.memref_slice %arg6[%dma_start3A_22, %dma_start3A_29, %dma_start3A_30] : memref<2x64x208xi32, #tpu.memory_space<vmem>> -> memref<1x64x200xi32, #tpu.memory_space<vmem>>
    %dma_start3A_32 = tpu.memref_squeeze %dma_start3A_31 : memref<1x64x200xi32, #tpu.memory_space<vmem>> -> memref<64x200xi32, #tpu.memory_space<vmem>>
    %dma_start3A_33 = arith.constant 0 : i32
    %dma_start3A_34 = tpu.memref_slice %arg3[%add3A_21, %dma_start3A_33] : memref<16384x200xi32, #tpu.memory_space<hbm>> -> memref<64x200xi32, #tpu.memory_space<hbm>>
    tpu.enqueue_dma source(%dma_start3A_34 : memref<64x200xi32, #tpu.memory_space<hbm>>) target(%dma_start3A_32 : memref<64x200xi32, #tpu.memory_space<vmem>>) target_semaphore(%arg9 : memref<!tpu.dma_semaphore, #tpu.memory_space<semaphore_mem>>)
    %scan3A = arith.constant 0 : i32
    %scan3A_35 = arith.constant 0 : i32
    %scan3A_36 = arith.constant 4 : i32
    %scan3A_37 = arith.addi %scan3A_35, %scan3A_36 : i32
    %scan3A_38 = arith.constant 1 : i32
    %scan3A_39 = scf.for %scan3A_70 = %scan3A_35 to %scan3A_37 step %scan3A_38 iter_args(%scan3A_71 = %scan3A) -> (i32)  : i32 {
      %mul3A_72 = arith.constant 2 : i32
      %mul3A_73 = arith.muli %scan3A_70, %mul3A_72 : i32
      %add3A_74 = arith.constant 0 : i32
      %add3A_75 = arith.addi %mul3A_73, %add3A_74 : i32
      %mul3A_76 = arith.constant 64 : i32
      %mul3A_77 = arith.muli %add3A_75, %mul3A_76 : i32
      %add3A_78 = arith.addi %mul3A_2, %mul3A_77 : i32
      %dma_wait3A_79 = arith.constant 0 : i32
      %dma_wait3A_80 = arith.constant 0 : i32
      %dma_wait3A_81 = arith.constant 0 : i32
      %dma_wait3A_82 = tpu.memref_slice %arg6[%dma_wait3A_79, %dma_wait3A_80, %dma_wait3A_81] : memref<2x64x208xi32, #tpu.memory_space<vmem>> -> memref<1x64x200xi32, #tpu.memory_space<vmem>>
      %dma_wait3A_83 = tpu.memref_squeeze %dma_wait3A_82 : memref<1x64x200xi32, #tpu.memory_space<vmem>> -> memref<64x200xi32, #tpu.memory_space<vmem>>
      %dma_wait3A_84 = arith.constant 0 : i32
      %dma_wait3A_85 = tpu.memref_slice %arg3[%add3A_78, %dma_wait3A_84] : memref<16384x200xi32, #tpu.memory_space<hbm>> -> memref<64x200xi32, #tpu.memory_space<hbm>>
      %dma_wait3A_86 = arith.constant 0 : i32
      %dma_wait3A_87 = arith.constant 0 : i32
      %dma_wait3A_88 = tpu.memref_slice %arg6[%dma_wait3A_79, %dma_wait3A_86, %dma_wait3A_87] : memref<2x64x208xi32, #tpu.memory_space<vmem>> -> memref<1x64x200xi32, #tpu.memory_space<vmem>>
      %dma_wait3A_89 = tpu.memref_squeeze %dma_wait3A_88 : memref<1x64x200xi32, #tpu.memory_space<vmem>> -> memref<64x200xi32, #tpu.memory_space<vmem>>
      %dma_wait3A_90 = arith.constant 0 : i32
      %dma_wait3A_91 = tpu.memref_slice %arg3[%add3A_78, %dma_wait3A_90] : memref<16384x200xi32, #tpu.memory_space<hbm>> -> memref<64x200xi32, #tpu.memory_space<hbm>>
      tpu.wait_dma2 semaphore(%arg8 : memref<!tpu.dma_semaphore, #tpu.memory_space<semaphore_mem>>) src(%dma_wait3A_91 : memref<64x200xi32, #tpu.memory_space<hbm>>) dst(%dma_wait3A_89 : memref<64x200xi32, #tpu.memory_space<vmem>>)
      %ge3A = arith.constant 2 : i32
      %ge3A_92 = arith.cmpi sge, %add3A_75, %ge3A : i32
      %convert_element_type3A = arith.extui %ge3A_92 : i1 to i32
      %cond3A = arith.constant 0 : i32
      %cond3A_93 = arith.cmpi ne, %convert_element_type3A, %cond3A : i32
      scf.if %cond3A_93 {
        %sub3A = arith.constant 2 : i32
        %sub3A_183 = arith.subi %add3A_75, %sub3A : i32
        %mul3A_184 = arith.constant 64 : i32
        %mul3A_185 = arith.muli %sub3A_183, %mul3A_184 : i32
        %add3A_186 = arith.addi %mul3A_2, %mul3A_185 : i32
        %dma_wait3A_187 = arith.constant 0 : i32
        %dma_wait3A_188 = arith.constant 0 : i32
        %dma_wait3A_189 = arith.constant 0 : i32
        %dma_wait3A_190 = tpu.memref_slice %arg7[%dma_wait3A_187, %dma_wait3A_188, %dma_wait3A_189] : memref<2x64x64xf32, #tpu.memory_space<vmem>> -> memref<1x64x64xf32, #tpu.memory_space<vmem>>
        %dma_wait3A_191 = tpu.memref_squeeze %dma_wait3A_190 : memref<1x64x64xf32, #tpu.memory_space<vmem>> -> memref<64x64xf32, #tpu.memory_space<vmem>>
        %dma_wait3A_192 = arith.constant 0 : i32
        %dma_wait3A_193 = tpu.memref_slice %arg4[%add3A_186, %dma_wait3A_192] : memref<16384x64xf32, #tpu.memory_space<hbm>> -> memref<64x64xf32, #tpu.memory_space<hbm>>
        %dma_wait3A_194 = arith.constant 0 : i32
        %dma_wait3A_195 = tpu.memref_slice %arg4[%add3A_186, %dma_wait3A_194] : memref<16384x64xf32, #tpu.memory_space<hbm>> -> memref<64x64xf32, #tpu.memory_space<hbm>>
        %dma_wait3A_196 = arith.constant 0 : i32
        %dma_wait3A_197 = arith.constant 0 : i32
        %dma_wait3A_198 = tpu.memref_slice %arg7[%dma_wait3A_187, %dma_wait3A_196, %dma_wait3A_197] : memref<2x64x64xf32, #tpu.memory_space<vmem>> -> memref<1x64x64xf32, #tpu.memory_space<vmem>>
        %dma_wait3A_199 = tpu.memref_squeeze %dma_wait3A_198 : memref<1x64x64xf32, #tpu.memory_space<vmem>> -> memref<64x64xf32, #tpu.memory_space<vmem>>
        tpu.wait_dma2 semaphore(%arg10 : memref<!tpu.dma_semaphore, #tpu.memory_space<semaphore_mem>>) src(%dma_wait3A_199 : memref<64x64xf32, #tpu.memory_space<vmem>>) dst(%dma_wait3A_195 : memref<64x64xf32, #tpu.memory_space<hbm>>)
      } else {
      }
      %scan3A_94 = arith.constant 0 : i32
      %scan3A_95 = arith.constant 0 : i32
      %scan3A_96 = arith.constant 0 : i32
      %scan3A_97 = arith.constant 0 : i32
      %scan3A_98 = arith.constant 64 : i32
      %scan3A_99 = arith.addi %scan3A_97, %scan3A_98 : i32
      %scan3A_100 = arith.constant 1 : i32
      %scan3A_101 = scf.for %scan3A_183 = %scan3A_97 to %scan3A_99 step %scan3A_100 iter_args(%scan3A_184 = %scan3A_96) -> (i32)  : i32 {
        %broadcast_in_dim3A = arith.constant 0.000000e+00 : f32
        %broadcast_in_dim3A_185 = vector.broadcast %broadcast_in_dim3A : f32 to vector<16xf32>
        %scan3A_186 = arith.constant 0 : i32
        %scan3A_187 = arith.constant 12 : i32
        %scan3A_188 = arith.addi %scan3A_186, %scan3A_187 : i32
        %scan3A_189 = arith.constant 1 : i32
        %scan3A_190:8 = scf.for %scan3A_401 = %scan3A_186 to %scan3A_188 step %scan3A_189 iter_args(%scan3A_402 = %broadcast_in_dim3A_185, %scan3A_403 = %broadcast_in_dim3A_185, %scan3A_404 = %broadcast_in_dim3A_185, %scan3A_405 = %broadcast_in_dim3A_185, %scan3A_406 = %broadcast_in_dim3A_185, %scan3A_407 = %broadcast_in_dim3A_185, %scan3A_408 = %broadcast_in_dim3A_185, %scan3A_409 = %broadcast_in_dim3A_185) -> (vector<16xf32>, vector<16xf32>, vector<16xf32>, vector<16xf32>, vector<16xf32>, vector<16xf32>, vector<16xf32>, vector<16xf32>)  : i32 {
          %mul3A_410 = arith.constant 16 : i32
          %mul3A_411 = arith.muli %scan3A_401, %mul3A_410 : i32
          %multiple_of3A_412 = tpu.assume_multiple %mul3A_411, 16 : i32
          %get3A_413 = arith.constant 0 : i32
          %get3A_414 = arith.constant 0 : i32
          %get3A_415 = tpu.memref_slice %arg6[%scan3A_94, %get3A_413, %get3A_414] : memref<2x64x208xi32, #tpu.memory_space<vmem>> -> memref<1x64x208xi32, #tpu.memory_space<vmem>>
          %get3A_416 = tpu.memref_squeeze %get3A_415 : memref<1x64x208xi32, #tpu.memory_space<vmem>> -> memref<64x208xi32, #tpu.memory_space<vmem>>
          %get3A_417 = arith.index_cast %scan3A_183 : i32 to index
          %get3A_418 = arith.index_cast %multiple_of3A_412 : i32 to index
          %get3A_419 = tpu.vector_load %get3A_416[%get3A_417, %get3A_418] {strides = array<i32>} : memref<64x208xi32, #tpu.memory_space<vmem>>, vector<16xi32>,
          %slice3A_420 = vector.extract_strided_slice %get3A_419 {offsets = [0], sizes = [1], strides = [1]} : vector<16xi32> to vector<1xi32>
          %squeeze3A_421 = vector.extract %slice3A_420[0] : i32 from vector<1xi32>
          %mul3A_422 = arith.constant 32 : i32
          %mul3A_423 = arith.muli %squeeze3A_421, %mul3A_422 : i32
          %multiple_of3A_424 = tpu.assume_multiple %mul3A_423, 16 : i32
          %get3A_425 = arith.index_cast %multiple_of3A_424 : i32 to index
          %get3A_426 = tpu.vector_load %arg5[%get3A_425] {strides = array<i32>} : memref<32800xi32, #tpu.memory_space<vmem>>, vector<16xi32>,
          %bitcast3A_427 = vector.bitcast %get3A_426 : vector<16xi32> to vector<32xbf16>
          %add3A_428 = arith.constant 16 : i32
          %add3A_429 = arith.addi %multiple_of3A_424, %add3A_428 : i32
          %multiple_of3A_430 = tpu.assume_multiple %add3A_429, 16 : i32
          %get3A_431 = arith.index_cast %multiple_of3A_430 : i32 to index
          %get3A_432 = tpu.vector_load %arg5[%get3A_431] {strides = array<i32>} : memref<32800xi32, #tpu.memory_space<vmem>>, vector<16xi32>,
          %bitcast3A_433 = vector.bitcast %get3A_432 : vector<16xi32> to vector<32xbf16>
          %slice3A_434 = vector.extract_strided_slice %get3A_419 {offsets = [1], sizes = [1], strides = [1]} : vector<16xi32> to vector<1xi32>
          %squeeze3A_435 = vector.extract %slice3A_434[0] : i32 from vector<1xi32>
          %mul3A_436 = arith.constant 32 : i32
          %mul3A_437 = arith.muli %squeeze3A_435, %mul3A_436 : i32
          %multiple_of3A_438 = tpu.assume_multiple %mul3A_437, 16 : i32
          %get3A_439 = arith.index_cast %multiple_of3A_438 : i32 to index
          %get3A_440 = tpu.vector_load %arg5[%get3A_439] {strides = array<i32>} : memref<32800xi32, #tpu.memory_space<vmem>>, vector<16xi32>,
          %bitcast3A_441 = vector.bitcast %get3A_440 : vector<16xi32> to vector<32xbf16>
          %add3A_442 = arith.constant 16 : i32
          %add3A_443 = arith.addi %multiple_of3A_438, %add3A_442 : i32
          %multiple_of3A_444 = tpu.assume_multiple %add3A_443, 16 : i32
          %get3A_445 = arith.index_cast %multiple_of3A_444 : i32 to index
          %get3A_446 = tpu.vector_load %arg5[%get3A_445] {strides = array<i32>} : memref<32800xi32, #tpu.memory_space<vmem>>, vector<16xi32>,
          %bitcast3A_447 = vector.bitcast %get3A_446 : vector<16xi32> to vector<32xbf16>
          %slice3A_448 = vector.extract_strided_slice %get3A_419 {offsets = [2], sizes = [1], strides = [1]} : vector<16xi32> to vector<1xi32>
          %squeeze3A_449 = vector.extract %slice3A_448[0] : i32 from vector<1xi32>
          %mul3A_450 = arith.constant 32 : i32
          %mul3A_451 = arith.muli %squeeze3A_449, %mul3A_450 : i32
          %multiple_of3A_452 = tpu.assume_multiple %mul3A_451, 16 : i32
          %get3A_453 = arith.index_cast %multiple_of3A_452 : i32 to index
          %get3A_454 = tpu.vector_load %arg5[%get3A_453] {strides = array<i32>} : memref<32800xi32, #tpu.memory_space<vmem>>, vector<16xi32>,
          %bitcast3A_455 = vector.bitcast %get3A_454 : vector<16xi32> to vector<32xbf16>
          %add3A_456 = arith.constant 16 : i32
          %add3A_457 = arith.addi %multiple_of3A_452, %add3A_456 : i32
          %multiple_of3A_458 = tpu.assume_multiple %add3A_457, 16 : i32
          %get3A_459 = arith.index_cast %multiple_of3A_458 : i32 to index
          %get3A_460 = tpu.vector_load %arg5[%get3A_459] {strides = array<i32>} : memref<32800xi32, #tpu.memory_space<vmem>>, vector<16xi32>,
          %bitcast3A_461 = vector.bitcast %get3A_460 : vector<16xi32> to vector<32xbf16>
          %slice3A_462 = vector.extract_strided_slice %get3A_419 {offsets = [3], sizes = [1], strides = [1]} : vector<16xi32> to vector<1xi32>
          %squeeze3A_463 = vector.extract %slice3A_462[0] : i32 from vector<1xi32>
          %mul3A_464 = arith.constant 32 : i32
          %mul3A_465 = arith.muli %squeeze3A_463, %mul3A_464 : i32
          %multiple_of3A_466 = tpu.assume_multiple %mul3A_465, 16 : i32
          %get3A_467 = arith.index_cast %multiple_of3A_466 : i32 to index
          %get3A_468 = tpu.vector_load %arg5[%get3A_467] {strides = array<i32>} : memref<32800xi32, #tpu.memory_space<vmem>>, vector<16xi32>,
          %bitcast3A_469 = vector.bitcast %get3A_468 : vector<16xi32> to vector<32xbf16>
          %add3A_470 = arith.constant 16 : i32
          %add3A_471 = arith.addi %multiple_of3A_466, %add3A_470 : i32
          %multiple_of3A_472 = tpu.assume_multiple %add3A_471, 16 : i32
          %get3A_473 = arith.index_cast %multiple_of3A_472 : i32 to index
          %get3A_474 = tpu.vector_load %arg5[%get3A_473] {strides = array<i32>} : memref<32800xi32, #tpu.memory_space<vmem>>, vector<16xi32>,
          %bitcast3A_475 = vector.bitcast %get3A_474 : vector<16xi32> to vector<32xbf16>
          %add3A_476 = arith.addf %bitcast3A_427, %bitcast3A_441 : vector<32xbf16>
          %add3A_477 = arith.addf %bitcast3A_455, %bitcast3A_469 : vector<32xbf16>
          %add3A_478 = arith.addf %add3A_476, %add3A_477 : vector<32xbf16>
          %bitcast3A_479 = vector.bitcast %add3A_478 : vector<32xbf16> to vector<16xi32>
          %add3A_480 = arith.addf %bitcast3A_433, %bitcast3A_447 : vector<32xbf16>
          %add3A_481 = arith.addf %bitcast3A_461, %bitcast3A_475 : vector<32xbf16>
          %add3A_482 = arith.addf %add3A_480, %add3A_481 : vector<32xbf16>
          %bitcast3A_483 = vector.bitcast %add3A_482 : vector<32xbf16> to vector<16xi32>
          %shift_left3A_484 = arith.constant 16 : i32
          %shift_left3A_485 = vector.broadcast %shift_left3A_484 : i32 to vector<16xi32>
          %shift_left3A_486 = arith.shli %bitcast3A_479, %shift_left3A_485 : vector<16xi32>
          %bitcast_convert_type3A_487 = tpu.bitcast %shift_left3A_486 : vector<16xi32> -> vector<16xf32>
          %add3A_488 = arith.addf %scan3A_402, %bitcast_convert_type3A_487 : vector<16xf32>
          %and3A_489 = arith.constant -65536 : i32
          %and3A_490 = vector.broadcast %and3A_489 : i32 to vector<16xi32>
          %and3A_491 = arith.andi %bitcast3A_479, %and3A_490 : vector<16xi32>
          %bitcast_convert_type3A_492 = tpu.bitcast %and3A_491 : vector<16xi32> -> vector<16xf32>
          %add3A_493 = arith.addf %scan3A_403, %bitcast_convert_type3A_492 : vector<16xf32>
          %shift_left3A_494 = arith.constant 16 : i32
          %shift_left3A_495 = vector.broadcast %shift_left3A_494 : i32 to vector<16xi32>
          %shift_left3A_496 = arith.shli %bitcast3A_483, %shift_left3A_495 : vector<16xi32>
          %bitcast_convert_type3A_497 = tpu.bitcast %shift_left3A_496 : vector<16xi32> -> vector<16xf32>
          %add3A_498 = arith.addf %scan3A_404, %bitcast_convert_type3A_497 : vector<16xf32>
          %and3A_499 = arith.constant -65536 : i32
          %and3A_500 = vector.broadcast %and3A_499 : i32 to vector<16xi32>
          %and3A_501 = arith.andi %bitcast3A_483, %and3A_500 : vector<16xi32>
          %bitcast_convert_type3A_502 = tpu.bitcast %and3A_501 : vector<16xi32> -> vector<16xf32>
          %add3A_503 = arith.addf %scan3A_405, %bitcast_convert_type3A_502 : vector<16xf32>
          %slice3A_504 = vector.extract_strided_slice %get3A_419 {offsets = [4], sizes = [1], strides = [1]} : vector<16xi32> to vector<1xi32>
          %squeeze3A_505 = vector.extract %slice3A_504[0] : i32 from vector<1xi32>
          %mul3A_506 = arith.constant 32 : i32
          %mul3A_507 = arith.muli %squeeze3A_505, %mul3A_506 : i32
          %multiple_of3A_508 = tpu.assume_multiple %mul3A_507, 16 : i32
          %get3A_509 = arith.index_cast %multiple_of3A_508 : i32 to index
          %get3A_510 = tpu.vector_load %arg5[%get3A_509] {strides = array<i32>} : memref<32800xi32, #tpu.memory_space<vmem>>, vector<16xi32>,
          %bitcast3A_511 = vector.bitcast %get3A_510 : vector<16xi32> to vector<32xbf16>
          %add3A_512 = arith.constant 16 : i32
          %add3A_513 = arith.addi %multiple_of3A_508, %add3A_512 : i32
          %multiple_of3A_514 = tpu.assume_multiple %add3A_513, 16 : i32
          %get3A_515 = arith.index_cast %multiple_of3A_514 : i32 to index
          %get3A_516 = tpu.vector_load %arg5[%get3A_515] {strides = array<i32>} : memref<32800xi32, #tpu.memory_space<vmem>>, vector<16xi32>,
          %bitcast3A_517 = vector.bitcast %get3A_516 : vector<16xi32> to vector<32xbf16>
          %slice3A_518 = vector.extract_strided_slice %get3A_419 {offsets = [5], sizes = [1], strides = [1]} : vector<16xi32> to vector<1xi32>
          %squeeze3A_519 = vector.extract %slice3A_518[0] : i32 from vector<1xi32>
          %mul3A_520 = arith.constant 32 : i32
          %mul3A_521 = arith.muli %squeeze3A_519, %mul3A_520 : i32
          %multiple_of3A_522 = tpu.assume_multiple %mul3A_521, 16 : i32
          %get3A_523 = arith.index_cast %multiple_of3A_522 : i32 to index
          %get3A_524 = tpu.vector_load %arg5[%get3A_523] {strides = array<i32>} : memref<32800xi32, #tpu.memory_space<vmem>>, vector<16xi32>,
          %bitcast3A_525 = vector.bitcast %get3A_524 : vector<16xi32> to vector<32xbf16>
          %add3A_526 = arith.constant 16 : i32
          %add3A_527 = arith.addi %multiple_of3A_522, %add3A_526 : i32
          %multiple_of3A_528 = tpu.assume_multiple %add3A_527, 16 : i32
          %get3A_529 = arith.index_cast %multiple_of3A_528 : i32 to index
          %get3A_530 = tpu.vector_load %arg5[%get3A_529] {strides = array<i32>} : memref<32800xi32, #tpu.memory_space<vmem>>, vector<16xi32>,
          %bitcast3A_531 = vector.bitcast %get3A_530 : vector<16xi32> to vector<32xbf16>
          %slice3A_532 = vector.extract_strided_slice %get3A_419 {offsets = [6], sizes = [1], strides = [1]} : vector<16xi32> to vector<1xi32>
          %squeeze3A_533 = vector.extract %slice3A_532[0] : i32 from vector<1xi32>
          %mul3A_534 = arith.constant 32 : i32
          %mul3A_535 = arith.muli %squeeze3A_533, %mul3A_534 : i32
          %multiple_of3A_536 = tpu.assume_multiple %mul3A_535, 16 : i32
          %get3A_537 = arith.index_cast %multiple_of3A_536 : i32 to index
          %get3A_538 = tpu.vector_load %arg5[%get3A_537] {strides = array<i32>} : memref<32800xi32, #tpu.memory_space<vmem>>, vector<16xi32>,
          %bitcast3A_539 = vector.bitcast %get3A_538 : vector<16xi32> to vector<32xbf16>
          %add3A_540 = arith.constant 16 : i32
          %add3A_541 = arith.addi %multiple_of3A_536, %add3A_540 : i32
          %multiple_of3A_542 = tpu.assume_multiple %add3A_541, 16 : i32
          %get3A_543 = arith.index_cast %multiple_of3A_542 : i32 to index
          %get3A_544 = tpu.vector_load %arg5[%get3A_543] {strides = array<i32>} : memref<32800xi32, #tpu.memory_space<vmem>>, vector<16xi32>,
          %bitcast3A_545 = vector.bitcast %get3A_544 : vector<16xi32> to vector<32xbf16>
          %slice3A_546 = vector.extract_strided_slice %get3A_419 {offsets = [7], sizes = [1], strides = [1]} : vector<16xi32> to vector<1xi32>
          %squeeze3A_547 = vector.extract %slice3A_546[0] : i32 from vector<1xi32>
          %mul3A_548 = arith.constant 32 : i32
          %mul3A_549 = arith.muli %squeeze3A_547, %mul3A_548 : i32
          %multiple_of3A_550 = tpu.assume_multiple %mul3A_549, 16 : i32
          %get3A_551 = arith.index_cast %multiple_of3A_550 : i32 to index
          %get3A_552 = tpu.vector_load %arg5[%get3A_551] {strides = array<i32>} : memref<32800xi32, #tpu.memory_space<vmem>>, vector<16xi32>,
          %bitcast3A_553 = vector.bitcast %get3A_552 : vector<16xi32> to vector<32xbf16>
          %add3A_554 = arith.constant 16 : i32
          %add3A_555 = arith.addi %multiple_of3A_550, %add3A_554 : i32
          %multiple_of3A_556 = tpu.assume_multiple %add3A_555, 16 : i32
          %get3A_557 = arith.index_cast %multiple_of3A_556 : i32 to index
          %get3A_558 = tpu.vector_load %arg5[%get3A_557] {strides = array<i32>} : memref<32800xi32, #tpu.memory_space<vmem>>, vector<16xi32>,
          %bitcast3A_559 = vector.bitcast %get3A_558 : vector<16xi32> to vector<32xbf16>
          %add3A_560 = arith.addf %bitcast3A_511, %bitcast3A_525 : vector<32xbf16>
          %add3A_561 = arith.addf %bitcast3A_539, %bitcast3A_553 : vector<32xbf16>
          %add3A_562 = arith.addf %add3A_560, %add3A_561 : vector<32xbf16>
          %bitcast3A_563 = vector.bitcast %add3A_562 : vector<32xbf16> to vector<16xi32>
          %add3A_564 = arith.addf %bitcast3A_517, %bitcast3A_531 : vector<32xbf16>
          %add3A_565 = arith.addf %bitcast3A_545, %bitcast3A_559 : vector<32xbf16>
          %add3A_566 = arith.addf %add3A_564, %add3A_565 : vector<32xbf16>
          %bitcast3A_567 = vector.bitcast %add3A_566 : vector<32xbf16> to vector<16xi32>
          %shift_left3A_568 = arith.constant 16 : i32
          %shift_left3A_569 = vector.broadcast %shift_left3A_568 : i32 to vector<16xi32>
          %shift_left3A_570 = arith.shli %bitcast3A_563, %shift_left3A_569 : vector<16xi32>
          %bitcast_convert_type3A_571 = tpu.bitcast %shift_left3A_570 : vector<16xi32> -> vector<16xf32>
          %add3A_572 = arith.addf %scan3A_406, %bitcast_convert_type3A_571 : vector<16xf32>
          %and3A_573 = arith.constant -65536 : i32
          %and3A_574 = vector.broadcast %and3A_573 : i32 to vector<16xi32>
          %and3A_575 = arith.andi %bitcast3A_563, %and3A_574 : vector<16xi32>
          %bitcast_convert_type3A_576 = tpu.bitcast %and3A_575 : vector<16xi32> -> vector<16xf32>
          %add3A_577 = arith.addf %scan3A_407, %bitcast_convert_type3A_576 : vector<16xf32>
          %shift_left3A_578 = arith.constant 16 : i32
          %shift_left3A_579 = vector.broadcast %shift_left3A_578 : i32 to vector<16xi32>
          %shift_left3A_580 = arith.shli %bitcast3A_567, %shift_left3A_579 : vector<16xi32>
          %bitcast_convert_type3A_581 = tpu.bitcast %shift_left3A_580 : vector<16xi32> -> vector<16xf32>
          %add3A_582 = arith.addf %scan3A_408, %bitcast_convert_type3A_581 : vector<16xf32>
          %and3A_583 = arith.constant -65536 : i32
          %and3A_584 = vector.broadcast %and3A_583 : i32 to vector<16xi32>
          %and3A_585 = arith.andi %bitcast3A_567, %and3A_584 : vector<16xi32>
          %bitcast_convert_type3A_586 = tpu.bitcast %and3A_585 : vector<16xi32> -> vector<16xf32>
          %add3A_587 = arith.addf %scan3A_409, %bitcast_convert_type3A_586 : vector<16xf32>
          %slice3A_588 = vector.extract_strided_slice %get3A_419 {offsets = [8], sizes = [1], strides = [1]} : vector<16xi32> to vector<1xi32>
          %squeeze3A_589 = vector.extract %slice3A_588[0] : i32 from vector<1xi32>
          %mul3A_590 = arith.constant 32 : i32
          %mul3A_591 = arith.muli %squeeze3A_589, %mul3A_590 : i32
          %multiple_of3A_592 = tpu.assume_multiple %mul3A_591, 16 : i32
          %get3A_593 = arith.index_cast %multiple_of3A_592 : i32 to index
          %get3A_594 = tpu.vector_load %arg5[%get3A_593] {strides = array<i32>} : memref<32800xi32, #tpu.memory_space<vmem>>, vector<16xi32>,
          %bitcast3A_595 = vector.bitcast %get3A_594 : vector<16xi32> to vector<32xbf16>
          %add3A_596 = arith.constant 16 : i32
          %add3A_597 = arith.addi %multiple_of3A_592, %add3A_596 : i32
          %multiple_of3A_598 = tpu.assume_multiple %add3A_597, 16 : i32
          %get3A_599 = arith.index_cast %multiple_of3A_598 : i32 to index
          %get3A_600 = tpu.vector_load %arg5[%get3A_599] {strides = array<i32>} : memref<32800xi32, #tpu.memory_space<vmem>>, vector<16xi32>,
          %bitcast3A_601 = vector.bitcast %get3A_600 : vector<16xi32> to vector<32xbf16>
          %slice3A_602 = vector.extract_strided_slice %get3A_419 {offsets = [9], sizes = [1], strides = [1]} : vector<16xi32> to vector<1xi32>
          %squeeze3A_603 = vector.extract %slice3A_602[0] : i32 from vector<1xi32>
          %mul3A_604 = arith.constant 32 : i32
          %mul3A_605 = arith.muli %squeeze3A_603, %mul3A_604 : i32
          %multiple_of3A_606 = tpu.assume_multiple %mul3A_605, 16 : i32
          %get3A_607 = arith.index_cast %multiple_of3A_606 : i32 to index
          %get3A_608 = tpu.vector_load %arg5[%get3A_607] {strides = array<i32>} : memref<32800xi32, #tpu.memory_space<vmem>>, vector<16xi32>,
          %bitcast3A_609 = vector.bitcast %get3A_608 : vector<16xi32> to vector<32xbf16>
          %add3A_610 = arith.constant 16 : i32
          %add3A_611 = arith.addi %multiple_of3A_606, %add3A_610 : i32
          %multiple_of3A_612 = tpu.assume_multiple %add3A_611, 16 : i32
          %get3A_613 = arith.index_cast %multiple_of3A_612 : i32 to index
          %get3A_614 = tpu.vector_load %arg5[%get3A_613] {strides = array<i32>} : memref<32800xi32, #tpu.memory_space<vmem>>, vector<16xi32>,
          %bitcast3A_615 = vector.bitcast %get3A_614 : vector<16xi32> to vector<32xbf16>
          %slice3A_616 = vector.extract_strided_slice %get3A_419 {offsets = [10], sizes = [1], strides = [1]} : vector<16xi32> to vector<1xi32>
          %squeeze3A_617 = vector.extract %slice3A_616[0] : i32 from vector<1xi32>
          %mul3A_618 = arith.constant 32 : i32
          %mul3A_619 = arith.muli %squeeze3A_617, %mul3A_618 : i32
          %multiple_of3A_620 = tpu.assume_multiple %mul3A_619, 16 : i32
          %get3A_621 = arith.index_cast %multiple_of3A_620 : i32 to index
          %get3A_622 = tpu.vector_load %arg5[%get3A_621] {strides = array<i32>} : memref<32800xi32, #tpu.memory_space<vmem>>, vector<16xi32>,
          %bitcast3A_623 = vector.bitcast %get3A_622 : vector<16xi32> to vector<32xbf16>
          %add3A_624 = arith.constant 16 : i32
          %add3A_625 = arith.addi %multiple_of3A_620, %add3A_624 : i32
          %multiple_of3A_626 = tpu.assume_multiple %add3A_625, 16 : i32
          %get3A_627 = arith.index_cast %multiple_of3A_626 : i32 to index
          %get3A_628 = tpu.vector_load %arg5[%get3A_627] {strides = array<i32>} : memref<32800xi32, #tpu.memory_space<vmem>>, vector<16xi32>,
          %bitcast3A_629 = vector.bitcast %get3A_628 : vector<16xi32> to vector<32xbf16>
          %slice3A_630 = vector.extract_strided_slice %get3A_419 {offsets = [11], sizes = [1], strides = [1]} : vector<16xi32> to vector<1xi32>
          %squeeze3A_631 = vector.extract %slice3A_630[0] : i32 from vector<1xi32>
          %mul3A_632 = arith.constant 32 : i32
          %mul3A_633 = arith.muli %squeeze3A_631, %mul3A_632 : i32
          %multiple_of3A_634 = tpu.assume_multiple %mul3A_633, 16 : i32
          %get3A_635 = arith.index_cast %multiple_of3A_634 : i32 to index
          %get3A_636 = tpu.vector_load %arg5[%get3A_635] {strides = array<i32>} : memref<32800xi32, #tpu.memory_space<vmem>>, vector<16xi32>,
          %bitcast3A_637 = vector.bitcast %get3A_636 : vector<16xi32> to vector<32xbf16>
          %add3A_638 = arith.constant 16 : i32
          %add3A_639 = arith.addi %multiple_of3A_634, %add3A_638 : i32
          %multiple_of3A_640 = tpu.assume_multiple %add3A_639, 16 : i32
          %get3A_641 = arith.index_cast %multiple_of3A_640 : i32 to index
          %get3A_642 = tpu.vector_load %arg5[%get3A_641] {strides = array<i32>} : memref<32800xi32, #tpu.memory_space<vmem>>, vector<16xi32>,
          %bitcast3A_643 = vector.bitcast %get3A_642 : vector<16xi32> to vector<32xbf16>
          %add3A_644 = arith.addf %bitcast3A_595, %bitcast3A_609 : vector<32xbf16>
          %add3A_645 = arith.addf %bitcast3A_623, %bitcast3A_637 : vector<32xbf16>
          %add3A_646 = arith.addf %add3A_644, %add3A_645 : vector<32xbf16>
          %bitcast3A_647 = vector.bitcast %add3A_646 : vector<32xbf16> to vector<16xi32>
          %add3A_648 = arith.addf %bitcast3A_601, %bitcast3A_615 : vector<32xbf16>
          %add3A_649 = arith.addf %bitcast3A_629, %bitcast3A_643 : vector<32xbf16>
          %add3A_650 = arith.addf %add3A_648, %add3A_649 : vector<32xbf16>
          %bitcast3A_651 = vector.bitcast %add3A_650 : vector<32xbf16> to vector<16xi32>
          %shift_left3A_652 = arith.constant 16 : i32
          %shift_left3A_653 = vector.broadcast %shift_left3A_652 : i32 to vector<16xi32>
          %shift_left3A_654 = arith.shli %bitcast3A_647, %shift_left3A_653 : vector<16xi32>
          %bitcast_convert_type3A_655 = tpu.bitcast %shift_left3A_654 : vector<16xi32> -> vector<16xf32>
          %add3A_656 = arith.addf %add3A_488, %bitcast_convert_type3A_655 : vector<16xf32>
          %and3A_657 = arith.constant -65536 : i32
          %and3A_658 = vector.broadcast %and3A_657 : i32 to vector<16xi32>
          %and3A_659 = arith.andi %bitcast3A_647, %and3A_658 : vector<16xi32>
          %bitcast_convert_type3A_660 = tpu.bitcast %and3A_659 : vector<16xi32> -> vector<16xf32>
          %add3A_661 = arith.addf %add3A_493, %bitcast_convert_type3A_660 : vector<16xf32>
          %shift_left3A_662 = arith.constant 16 : i32
          %shift_left3A_663 = vector.broadcast %shift_left3A_662 : i32 to vector<16xi32>
          %shift_left3A_664 = arith.shli %bitcast3A_651, %shift_left3A_663 : vector<16xi32>
          %bitcast_convert_type3A_665 = tpu.bitcast %shift_left3A_664 : vector<16xi32> -> vector<16xf32>
          %add3A_666 = arith.addf %add3A_498, %bitcast_convert_type3A_665 : vector<16xf32>
          %and3A_667 = arith.constant -65536 : i32
          %and3A_668 = vector.broadcast %and3A_667 : i32 to vector<16xi32>
          %and3A_669 = arith.andi %bitcast3A_651, %and3A_668 : vector<16xi32>
          %bitcast_convert_type3A_670 = tpu.bitcast %and3A_669 : vector<16xi32> -> vector<16xf32>
          %add3A_671 = arith.addf %add3A_503, %bitcast_convert_type3A_670 : vector<16xf32>
          %slice3A_672 = vector.extract_strided_slice %get3A_419 {offsets = [12], sizes = [1], strides = [1]} : vector<16xi32> to vector<1xi32>
          %squeeze3A_673 = vector.extract %slice3A_672[0] : i32 from vector<1xi32>
          %mul3A_674 = arith.constant 32 : i32
          %mul3A_675 = arith.muli %squeeze3A_673, %mul3A_674 : i32
          %multiple_of3A_676 = tpu.assume_multiple %mul3A_675, 16 : i32
          %get3A_677 = arith.index_cast %multiple_of3A_676 : i32 to index
          %get3A_678 = tpu.vector_load %arg5[%get3A_677] {strides = array<i32>} : memref<32800xi32, #tpu.memory_space<vmem>>, vector<16xi32>,
          %bitcast3A_679 = vector.bitcast %get3A_678 : vector<16xi32> to vector<32xbf16>
          %add3A_680 = arith.constant 16 : i32
          %add3A_681 = arith.addi %multiple_of3A_676, %add3A_680 : i32
          %multiple_of3A_682 = tpu.assume_multiple %add3A_681, 16 : i32
          %get3A_683 = arith.index_cast %multiple_of3A_682 : i32 to index
          %get3A_684 = tpu.vector_load %arg5[%get3A_683] {strides = array<i32>} : memref<32800xi32, #tpu.memory_space<vmem>>, vector<16xi32>,
          %bitcast3A_685 = vector.bitcast %get3A_684 : vector<16xi32> to vector<32xbf16>
          %slice3A_686 = vector.extract_strided_slice %get3A_419 {offsets = [13], sizes = [1], strides = [1]} : vector<16xi32> to vector<1xi32>
          %squeeze3A_687 = vector.extract %slice3A_686[0] : i32 from vector<1xi32>
          %mul3A_688 = arith.constant 32 : i32
          %mul3A_689 = arith.muli %squeeze3A_687, %mul3A_688 : i32
          %multiple_of3A_690 = tpu.assume_multiple %mul3A_689, 16 : i32
          %get3A_691 = arith.index_cast %multiple_of3A_690 : i32 to index
          %get3A_692 = tpu.vector_load %arg5[%get3A_691] {strides = array<i32>} : memref<32800xi32, #tpu.memory_space<vmem>>, vector<16xi32>,
          %bitcast3A_693 = vector.bitcast %get3A_692 : vector<16xi32> to vector<32xbf16>
          %add3A_694 = arith.constant 16 : i32
          %add3A_695 = arith.addi %multiple_of3A_690, %add3A_694 : i32
          %multiple_of3A_696 = tpu.assume_multiple %add3A_695, 16 : i32
          %get3A_697 = arith.index_cast %multiple_of3A_696 : i32 to index
          %get3A_698 = tpu.vector_load %arg5[%get3A_697] {strides = array<i32>} : memref<32800xi32, #tpu.memory_space<vmem>>, vector<16xi32>,
          %bitcast3A_699 = vector.bitcast %get3A_698 : vector<16xi32> to vector<32xbf16>
          %slice3A_700 = vector.extract_strided_slice %get3A_419 {offsets = [14], sizes = [1], strides = [1]} : vector<16xi32> to vector<1xi32>
          %squeeze3A_701 = vector.extract %slice3A_700[0] : i32 from vector<1xi32>
          %mul3A_702 = arith.constant 32 : i32
          %mul3A_703 = arith.muli %squeeze3A_701, %mul3A_702 : i32
          %multiple_of3A_704 = tpu.assume_multiple %mul3A_703, 16 : i32
          %get3A_705 = arith.index_cast %multiple_of3A_704 : i32 to index
          %get3A_706 = tpu.vector_load %arg5[%get3A_705] {strides = array<i32>} : memref<32800xi32, #tpu.memory_space<vmem>>, vector<16xi32>,
          %bitcast3A_707 = vector.bitcast %get3A_706 : vector<16xi32> to vector<32xbf16>
          %add3A_708 = arith.constant 16 : i32
          %add3A_709 = arith.addi %multiple_of3A_704, %add3A_708 : i32
          %multiple_of3A_710 = tpu.assume_multiple %add3A_709, 16 : i32
          %get3A_711 = arith.index_cast %multiple_of3A_710 : i32 to index
          %get3A_712 = tpu.vector_load %arg5[%get3A_711] {strides = array<i32>} : memref<32800xi32, #tpu.memory_space<vmem>>, vector<16xi32>,
          %bitcast3A_713 = vector.bitcast %get3A_712 : vector<16xi32> to vector<32xbf16>
          %slice3A_714 = vector.extract_strided_slice %get3A_419 {offsets = [15], sizes = [1], strides = [1]} : vector<16xi32> to vector<1xi32>
          %squeeze3A_715 = vector.extract %slice3A_714[0] : i32 from vector<1xi32>
          %mul3A_716 = arith.constant 32 : i32
          %mul3A_717 = arith.muli %squeeze3A_715, %mul3A_716 : i32
          %multiple_of3A_718 = tpu.assume_multiple %mul3A_717, 16 : i32
          %get3A_719 = arith.index_cast %multiple_of3A_718 : i32 to index
          %get3A_720 = tpu.vector_load %arg5[%get3A_719] {strides = array<i32>} : memref<32800xi32, #tpu.memory_space<vmem>>, vector<16xi32>,
          %bitcast3A_721 = vector.bitcast %get3A_720 : vector<16xi32> to vector<32xbf16>
          %add3A_722 = arith.constant 16 : i32
          %add3A_723 = arith.addi %multiple_of3A_718, %add3A_722 : i32
          %multiple_of3A_724 = tpu.assume_multiple %add3A_723, 16 : i32
          %get3A_725 = arith.index_cast %multiple_of3A_724 : i32 to index
          %get3A_726 = tpu.vector_load %arg5[%get3A_725] {strides = array<i32>} : memref<32800xi32, #tpu.memory_space<vmem>>, vector<16xi32>,
          %bitcast3A_727 = vector.bitcast %get3A_726 : vector<16xi32> to vector<32xbf16>
          %add3A_728 = arith.addf %bitcast3A_679, %bitcast3A_693 : vector<32xbf16>
          %add3A_729 = arith.addf %bitcast3A_707, %bitcast3A_721 : vector<32xbf16>
          %add3A_730 = arith.addf %add3A_728, %add3A_729 : vector<32xbf16>
          %bitcast3A_731 = vector.bitcast %add3A_730 : vector<32xbf16> to vector<16xi32>
          %add3A_732 = arith.addf %bitcast3A_685, %bitcast3A_699 : vector<32xbf16>
          %add3A_733 = arith.addf %bitcast3A_713, %bitcast3A_727 : vector<32xbf16>
          %add3A_734 = arith.addf %add3A_732, %add3A_733 : vector<32xbf16>
          %bitcast3A_735 = vector.bitcast %add3A_734 : vector<32xbf16> to vector<16xi32>
          %shift_left3A_736 = arith.constant 16 : i32
          %shift_left3A_737 = vector.broadcast %shift_left3A_736 : i32 to vector<16xi32>
          %shift_left3A_738 = arith.shli %bitcast3A_731, %shift_left3A_737 : vector<16xi32>
          %bitcast_convert_type3A_739 = tpu.bitcast %shift_left3A_738 : vector<16xi32> -> vector<16xf32>
          %add3A_740 = arith.addf %add3A_572, %bitcast_convert_type3A_739 : vector<16xf32>
          %and3A_741 = arith.constant -65536 : i32
          %and3A_742 = vector.broadcast %and3A_741 : i32 to vector<16xi32>
          %and3A_743 = arith.andi %bitcast3A_731, %and3A_742 : vector<16xi32>
          %bitcast_convert_type3A_744 = tpu.bitcast %and3A_743 : vector<16xi32> -> vector<16xf32>
          %add3A_745 = arith.addf %add3A_577, %bitcast_convert_type3A_744 : vector<16xf32>
          %shift_left3A_746 = arith.constant 16 : i32
          %shift_left3A_747 = vector.broadcast %shift_left3A_746 : i32 to vector<16xi32>
          %shift_left3A_748 = arith.shli %bitcast3A_735, %shift_left3A_747 : vector<16xi32>
          %bitcast_convert_type3A_749 = tpu.bitcast %shift_left3A_748 : vector<16xi32> -> vector<16xf32>
          %add3A_750 = arith.addf %add3A_582, %bitcast_convert_type3A_749 : vector<16xf32>
          %and3A_751 = arith.constant -65536 : i32
          %and3A_752 = vector.broadcast %and3A_751 : i32 to vector<16xi32>
          %and3A_753 = arith.andi %bitcast3A_735, %and3A_752 : vector<16xi32>
          %bitcast_convert_type3A_754 = tpu.bitcast %and3A_753 : vector<16xi32> -> vector<16xf32>
          %add3A_755 = arith.addf %add3A_587, %bitcast_convert_type3A_754 : vector<16xf32>
          scf.yield %add3A_656, %add3A_661, %add3A_666, %add3A_671, %add3A_740, %add3A_745, %add3A_750, %add3A_755 : vector<16xf32>, vector<16xf32>, vector<16xf32>, vector<16xf32>, vector<16xf32>, vector<16xf32>, vector<16xf32>, vector<16xf32>
        }
        %scan3A_191 = arith.constant 12 : i32
        %get3A = arith.constant 0 : i32
        %get3A_192 = arith.constant 0 : i32
        %get3A_193 = tpu.memref_slice %arg6[%scan3A_94, %get3A, %get3A_192] : memref<2x64x208xi32, #tpu.memory_space<vmem>> -> memref<1x64x208xi32, #tpu.memory_space<vmem>>
        %get3A_194 = tpu.memref_squeeze %get3A_193 : memref<1x64x208xi32, #tpu.memory_space<vmem>> -> memref<64x208xi32, #tpu.memory_space<vmem>>
        %get3A_195 = arith.index_cast %scan3A_183 : i32 to index
        %get3A_196 = arith.constant 192 : index
        %get3A_197 = tpu.vector_load %get3A_194[%get3A_195, %get3A_196] {strides = array<i32>} : memref<64x208xi32, #tpu.memory_space<vmem>>, vector<16xi32>,
        %slice3A = vector.extract_strided_slice %get3A_197 {offsets = [0], sizes = [1], strides = [1]} : vector<16xi32> to vector<1xi32>
        %squeeze3A = vector.extract %slice3A[0] : i32 from vector<1xi32>
        %mul3A_198 = arith.constant 32 : i32
        %mul3A_199 = arith.muli %squeeze3A, %mul3A_198 : i32
        %multiple_of3A = tpu.assume_multiple %mul3A_199, 16 : i32
        %get3A_200 = arith.index_cast %multiple_of3A : i32 to index
        %get3A_201 = tpu.vector_load %arg5[%get3A_200] {strides = array<i32>} : memref<32800xi32, #tpu.memory_space<vmem>>, vector<16xi32>,
        %bitcast3A = vector.bitcast %get3A_201 : vector<16xi32> to vector<32xbf16>
        %add3A_202 = arith.constant 16 : i32
        %add3A_203 = arith.addi %multiple_of3A, %add3A_202 : i32
        %multiple_of3A_204 = tpu.assume_multiple %add3A_203, 16 : i32
        %get3A_205 = arith.index_cast %multiple_of3A_204 : i32 to index
        %get3A_206 = tpu.vector_load %arg5[%get3A_205] {strides = array<i32>} : memref<32800xi32, #tpu.memory_space<vmem>>, vector<16xi32>,
        %bitcast3A_207 = vector.bitcast %get3A_206 : vector<16xi32> to vector<32xbf16>
        %slice3A_208 = vector.extract_strided_slice %get3A_197 {offsets = [1], sizes = [1], strides = [1]} : vector<16xi32> to vector<1xi32>
        %squeeze3A_209 = vector.extract %slice3A_208[0] : i32 from vector<1xi32>
        %mul3A_210 = arith.constant 32 : i32
        %mul3A_211 = arith.muli %squeeze3A_209, %mul3A_210 : i32
        %multiple_of3A_212 = tpu.assume_multiple %mul3A_211, 16 : i32
        %get3A_213 = arith.index_cast %multiple_of3A_212 : i32 to index
        %get3A_214 = tpu.vector_load %arg5[%get3A_213] {strides = array<i32>} : memref<32800xi32, #tpu.memory_space<vmem>>, vector<16xi32>,
        %bitcast3A_215 = vector.bitcast %get3A_214 : vector<16xi32> to vector<32xbf16>
        %add3A_216 = arith.constant 16 : i32
        %add3A_217 = arith.addi %multiple_of3A_212, %add3A_216 : i32
        %multiple_of3A_218 = tpu.assume_multiple %add3A_217, 16 : i32
        %get3A_219 = arith.index_cast %multiple_of3A_218 : i32 to index
        %get3A_220 = tpu.vector_load %arg5[%get3A_219] {strides = array<i32>} : memref<32800xi32, #tpu.memory_space<vmem>>, vector<16xi32>,
        %bitcast3A_221 = vector.bitcast %get3A_220 : vector<16xi32> to vector<32xbf16>
        %slice3A_222 = vector.extract_strided_slice %get3A_197 {offsets = [2], sizes = [1], strides = [1]} : vector<16xi32> to vector<1xi32>
        %squeeze3A_223 = vector.extract %slice3A_222[0] : i32 from vector<1xi32>
        %mul3A_224 = arith.constant 32 : i32
        %mul3A_225 = arith.muli %squeeze3A_223, %mul3A_224 : i32
        %multiple_of3A_226 = tpu.assume_multiple %mul3A_225, 16 : i32
        %get3A_227 = arith.index_cast %multiple_of3A_226 : i32 to index
        %get3A_228 = tpu.vector_load %arg5[%get3A_227] {strides = array<i32>} : memref<32800xi32, #tpu.memory_space<vmem>>, vector<16xi32>,
        %bitcast3A_229 = vector.bitcast %get3A_228 : vector<16xi32> to vector<32xbf16>
        %add3A_230 = arith.constant 16 : i32
        %add3A_231 = arith.addi %multiple_of3A_226, %add3A_230 : i32
        %multiple_of3A_232 = tpu.assume_multiple %add3A_231, 16 : i32
        %get3A_233 = arith.index_cast %multiple_of3A_232 : i32 to index
        %get3A_234 = tpu.vector_load %arg5[%get3A_233] {strides = array<i32>} : memref<32800xi32, #tpu.memory_space<vmem>>, vector<16xi32>,
        %bitcast3A_235 = vector.bitcast %get3A_234 : vector<16xi32> to vector<32xbf16>
        %slice3A_236 = vector.extract_strided_slice %get3A_197 {offsets = [3], sizes = [1], strides = [1]} : vector<16xi32> to vector<1xi32>
        %squeeze3A_237 = vector.extract %slice3A_236[0] : i32 from vector<1xi32>
        %mul3A_238 = arith.constant 32 : i32
        %mul3A_239 = arith.muli %squeeze3A_237, %mul3A_238 : i32
        %multiple_of3A_240 = tpu.assume_multiple %mul3A_239, 16 : i32
        %get3A_241 = arith.index_cast %multiple_of3A_240 : i32 to index
        %get3A_242 = tpu.vector_load %arg5[%get3A_241] {strides = array<i32>} : memref<32800xi32, #tpu.memory_space<vmem>>, vector<16xi32>,
        %bitcast3A_243 = vector.bitcast %get3A_242 : vector<16xi32> to vector<32xbf16>
        %add3A_244 = arith.constant 16 : i32
        %add3A_245 = arith.addi %multiple_of3A_240, %add3A_244 : i32
        %multiple_of3A_246 = tpu.assume_multiple %add3A_245, 16 : i32
        %get3A_247 = arith.index_cast %multiple_of3A_246 : i32 to index
        %get3A_248 = tpu.vector_load %arg5[%get3A_247] {strides = array<i32>} : memref<32800xi32, #tpu.memory_space<vmem>>, vector<16xi32>,
        %bitcast3A_249 = vector.bitcast %get3A_248 : vector<16xi32> to vector<32xbf16>
        %add3A_250 = arith.addf %bitcast3A, %bitcast3A_215 : vector<32xbf16>
        %add3A_251 = arith.addf %bitcast3A_229, %bitcast3A_243 : vector<32xbf16>
        %add3A_252 = arith.addf %add3A_250, %add3A_251 : vector<32xbf16>
        %bitcast3A_253 = vector.bitcast %add3A_252 : vector<32xbf16> to vector<16xi32>
        %add3A_254 = arith.addf %bitcast3A_207, %bitcast3A_221 : vector<32xbf16>
        %add3A_255 = arith.addf %bitcast3A_235, %bitcast3A_249 : vector<32xbf16>
        %add3A_256 = arith.addf %add3A_254, %add3A_255 : vector<32xbf16>
        %bitcast3A_257 = vector.bitcast %add3A_256 : vector<32xbf16> to vector<16xi32>
        %shift_left3A = arith.constant 16 : i32
        %shift_left3A_258 = vector.broadcast %shift_left3A : i32 to vector<16xi32>
        %shift_left3A_259 = arith.shli %bitcast3A_253, %shift_left3A_258 : vector<16xi32>
        %bitcast_convert_type3A = tpu.bitcast %shift_left3A_259 : vector<16xi32> -> vector<16xf32>
        %add3A_260 = arith.addf %scan3A_190#0, %bitcast_convert_type3A : vector<16xf32>
        %and3A = arith.constant -65536 : i32
        %and3A_261 = vector.broadcast %and3A : i32 to vector<16xi32>
        %and3A_262 = arith.andi %bitcast3A_253, %and3A_261 : vector<16xi32>
        %bitcast_convert_type3A_263 = tpu.bitcast %and3A_262 : vector<16xi32> -> vector<16xf32>
        %add3A_264 = arith.addf %scan3A_190#1, %bitcast_convert_type3A_263 : vector<16xf32>
        %shift_left3A_265 = arith.constant 16 : i32
        %shift_left3A_266 = vector.broadcast %shift_left3A_265 : i32 to vector<16xi32>
        %shift_left3A_267 = arith.shli %bitcast3A_257, %shift_left3A_266 : vector<16xi32>
        %bitcast_convert_type3A_268 = tpu.bitcast %shift_left3A_267 : vector<16xi32> -> vector<16xf32>
        %add3A_269 = arith.addf %scan3A_190#2, %bitcast_convert_type3A_268 : vector<16xf32>
        %and3A_270 = arith.constant -65536 : i32
        %and3A_271 = vector.broadcast %and3A_270 : i32 to vector<16xi32>
        %and3A_272 = arith.andi %bitcast3A_257, %and3A_271 : vector<16xi32>
        %bitcast_convert_type3A_273 = tpu.bitcast %and3A_272 : vector<16xi32> -> vector<16xf32>
        %add3A_274 = arith.addf %scan3A_190#3, %bitcast_convert_type3A_273 : vector<16xf32>
        %slice3A_275 = vector.extract_strided_slice %get3A_197 {offsets = [4], sizes = [1], strides = [1]} : vector<16xi32> to vector<1xi32>
        %squeeze3A_276 = vector.extract %slice3A_275[0] : i32 from vector<1xi32>
        %mul3A_277 = arith.constant 32 : i32
        %mul3A_278 = arith.muli %squeeze3A_276, %mul3A_277 : i32
        %multiple_of3A_279 = tpu.assume_multiple %mul3A_278, 16 : i32
        %get3A_280 = arith.index_cast %multiple_of3A_279 : i32 to index
        %get3A_281 = tpu.vector_load %arg5[%get3A_280] {strides = array<i32>} : memref<32800xi32, #tpu.memory_space<vmem>>, vector<16xi32>,
        %bitcast3A_282 = vector.bitcast %get3A_281 : vector<16xi32> to vector<32xbf16>
        %add3A_283 = arith.constant 16 : i32
        %add3A_284 = arith.addi %multiple_of3A_279, %add3A_283 : i32
        %multiple_of3A_285 = tpu.assume_multiple %add3A_284, 16 : i32
        %get3A_286 = arith.index_cast %multiple_of3A_285 : i32 to index
        %get3A_287 = tpu.vector_load %arg5[%get3A_286] {strides = array<i32>} : memref<32800xi32, #tpu.memory_space<vmem>>, vector<16xi32>,
        %bitcast3A_288 = vector.bitcast %get3A_287 : vector<16xi32> to vector<32xbf16>
        %slice3A_289 = vector.extract_strided_slice %get3A_197 {offsets = [5], sizes = [1], strides = [1]} : vector<16xi32> to vector<1xi32>
        %squeeze3A_290 = vector.extract %slice3A_289[0] : i32 from vector<1xi32>
        %mul3A_291 = arith.constant 32 : i32
        %mul3A_292 = arith.muli %squeeze3A_290, %mul3A_291 : i32
        %multiple_of3A_293 = tpu.assume_multiple %mul3A_292, 16 : i32
        %get3A_294 = arith.index_cast %multiple_of3A_293 : i32 to index
        %get3A_295 = tpu.vector_load %arg5[%get3A_294] {strides = array<i32>} : memref<32800xi32, #tpu.memory_space<vmem>>, vector<16xi32>,
        %bitcast3A_296 = vector.bitcast %get3A_295 : vector<16xi32> to vector<32xbf16>
        %add3A_297 = arith.constant 16 : i32
        %add3A_298 = arith.addi %multiple_of3A_293, %add3A_297 : i32
        %multiple_of3A_299 = tpu.assume_multiple %add3A_298, 16 : i32
        %get3A_300 = arith.index_cast %multiple_of3A_299 : i32 to index
        %get3A_301 = tpu.vector_load %arg5[%get3A_300] {strides = array<i32>} : memref<32800xi32, #tpu.memory_space<vmem>>, vector<16xi32>,
        %bitcast3A_302 = vector.bitcast %get3A_301 : vector<16xi32> to vector<32xbf16>
        %slice3A_303 = vector.extract_strided_slice %get3A_197 {offsets = [6], sizes = [1], strides = [1]} : vector<16xi32> to vector<1xi32>
        %squeeze3A_304 = vector.extract %slice3A_303[0] : i32 from vector<1xi32>
        %mul3A_305 = arith.constant 32 : i32
        %mul3A_306 = arith.muli %squeeze3A_304, %mul3A_305 : i32
        %multiple_of3A_307 = tpu.assume_multiple %mul3A_306, 16 : i32
        %get3A_308 = arith.index_cast %multiple_of3A_307 : i32 to index
        %get3A_309 = tpu.vector_load %arg5[%get3A_308] {strides = array<i32>} : memref<32800xi32, #tpu.memory_space<vmem>>, vector<16xi32>,
        %bitcast3A_310 = vector.bitcast %get3A_309 : vector<16xi32> to vector<32xbf16>
        %add3A_311 = arith.constant 16 : i32
        %add3A_312 = arith.addi %multiple_of3A_307, %add3A_311 : i32
        %multiple_of3A_313 = tpu.assume_multiple %add3A_312, 16 : i32
        %get3A_314 = arith.index_cast %multiple_of3A_313 : i32 to index
        %get3A_315 = tpu.vector_load %arg5[%get3A_314] {strides = array<i32>} : memref<32800xi32, #tpu.memory_space<vmem>>, vector<16xi32>,
        %bitcast3A_316 = vector.bitcast %get3A_315 : vector<16xi32> to vector<32xbf16>
        %slice3A_317 = vector.extract_strided_slice %get3A_197 {offsets = [7], sizes = [1], strides = [1]} : vector<16xi32> to vector<1xi32>
        %squeeze3A_318 = vector.extract %slice3A_317[0] : i32 from vector<1xi32>
        %mul3A_319 = arith.constant 32 : i32
        %mul3A_320 = arith.muli %squeeze3A_318, %mul3A_319 : i32
        %multiple_of3A_321 = tpu.assume_multiple %mul3A_320, 16 : i32
        %get3A_322 = arith.index_cast %multiple_of3A_321 : i32 to index
        %get3A_323 = tpu.vector_load %arg5[%get3A_322] {strides = array<i32>} : memref<32800xi32, #tpu.memory_space<vmem>>, vector<16xi32>,
        %bitcast3A_324 = vector.bitcast %get3A_323 : vector<16xi32> to vector<32xbf16>
        %add3A_325 = arith.constant 16 : i32
        %add3A_326 = arith.addi %multiple_of3A_321, %add3A_325 : i32
        %multiple_of3A_327 = tpu.assume_multiple %add3A_326, 16 : i32
        %get3A_328 = arith.index_cast %multiple_of3A_327 : i32 to index
        %get3A_329 = tpu.vector_load %arg5[%get3A_328] {strides = array<i32>} : memref<32800xi32, #tpu.memory_space<vmem>>, vector<16xi32>,
        %bitcast3A_330 = vector.bitcast %get3A_329 : vector<16xi32> to vector<32xbf16>
        %add3A_331 = arith.addf %bitcast3A_282, %bitcast3A_296 : vector<32xbf16>
        %add3A_332 = arith.addf %bitcast3A_310, %bitcast3A_324 : vector<32xbf16>
        %add3A_333 = arith.addf %add3A_331, %add3A_332 : vector<32xbf16>
        %bitcast3A_334 = vector.bitcast %add3A_333 : vector<32xbf16> to vector<16xi32>
        %add3A_335 = arith.addf %bitcast3A_288, %bitcast3A_302 : vector<32xbf16>
        %add3A_336 = arith.addf %bitcast3A_316, %bitcast3A_330 : vector<32xbf16>
        %add3A_337 = arith.addf %add3A_335, %add3A_336 : vector<32xbf16>
        %bitcast3A_338 = vector.bitcast %add3A_337 : vector<32xbf16> to vector<16xi32>
        %shift_left3A_339 = arith.constant 16 : i32
        %shift_left3A_340 = vector.broadcast %shift_left3A_339 : i32 to vector<16xi32>
        %shift_left3A_341 = arith.shli %bitcast3A_334, %shift_left3A_340 : vector<16xi32>
        %bitcast_convert_type3A_342 = tpu.bitcast %shift_left3A_341 : vector<16xi32> -> vector<16xf32>
        %add3A_343 = arith.addf %scan3A_190#4, %bitcast_convert_type3A_342 : vector<16xf32>
        %and3A_344 = arith.constant -65536 : i32
        %and3A_345 = vector.broadcast %and3A_344 : i32 to vector<16xi32>
        %and3A_346 = arith.andi %bitcast3A_334, %and3A_345 : vector<16xi32>
        %bitcast_convert_type3A_347 = tpu.bitcast %and3A_346 : vector<16xi32> -> vector<16xf32>
        %add3A_348 = arith.addf %scan3A_190#5, %bitcast_convert_type3A_347 : vector<16xf32>
        %shift_left3A_349 = arith.constant 16 : i32
        %shift_left3A_350 = vector.broadcast %shift_left3A_349 : i32 to vector<16xi32>
        %shift_left3A_351 = arith.shli %bitcast3A_338, %shift_left3A_350 : vector<16xi32>
        %bitcast_convert_type3A_352 = tpu.bitcast %shift_left3A_351 : vector<16xi32> -> vector<16xf32>
        %add3A_353 = arith.addf %scan3A_190#6, %bitcast_convert_type3A_352 : vector<16xf32>
        %and3A_354 = arith.constant -65536 : i32
        %and3A_355 = vector.broadcast %and3A_354 : i32 to vector<16xi32>
        %and3A_356 = arith.andi %bitcast3A_338, %and3A_355 : vector<16xi32>
        %bitcast_convert_type3A_357 = tpu.bitcast %and3A_356 : vector<16xi32> -> vector<16xf32>
        %add3A_358 = arith.addf %scan3A_190#7, %bitcast_convert_type3A_357 : vector<16xf32>
        %add3A_359 = arith.addf %add3A_260, %add3A_343 : vector<16xf32>
        %add3A_360 = arith.addf %add3A_264, %add3A_348 : vector<16xf32>
        %add3A_361 = arith.addf %add3A_269, %add3A_353 : vector<16xf32>
        %add3A_362 = arith.addf %add3A_274, %add3A_358 : vector<16xf32>
        %broadcast_in_dim3A_363 = vector.broadcast %scan3A_183 : i32 to vector<16xi32>
        %mul3A_364 = arith.constant 5.000000e-03 : f32
        %mul3A_365 = vector.broadcast %mul3A_364 : f32 to vector<16xf32>
        %mul3A_366 = arith.mulf %add3A_359, %mul3A_365 : vector<16xf32>
        %scatter3A = arith.constant 0 : i32
        %scatter3A_367 = arith.constant 0 : i32
        %scatter3A_368 = tpu.memref_slice %arg7[%scan3A_95, %scatter3A, %scatter3A_367] : memref<2x64x64xf32, #tpu.memory_space<vmem>> -> memref<1x64x64xf32, #tpu.memory_space<vmem>>
        %scatter3A_369 = tpu.memref_squeeze %scatter3A_368 : memref<1x64x64xf32, #tpu.memory_space<vmem>> -> memref<64x64xf32, #tpu.memory_space<vmem>>
        tpu.vector_store_idx %scatter3A_369[%broadcast_in_dim3A_363, %mul3A_5], %mul3A_366 : memref<64x64xf32, #tpu.memory_space<vmem>>[vector<16xi32>, vector<16xi32>], vector<16xf32>,
        %add3A_370 = arith.constant 1 : i32
        %add3A_371 = vector.broadcast %add3A_370 : i32 to vector<16xi32>
        %add3A_372 = arith.addi %mul3A_5, %add3A_371 : vector<16xi32>
        %mul3A_373 = arith.constant 5.000000e-03 : f32
        %mul3A_374 = vector.broadcast %mul3A_373 : f32 to vector<16xf32>
        %mul3A_375 = arith.mulf %add3A_360, %mul3A_374 : vector<16xf32>
        %scatter3A_376 = arith.constant 0 : i32
        %scatter3A_377 = arith.constant 0 : i32
        %scatter3A_378 = tpu.memref_slice %arg7[%scan3A_95, %scatter3A_376, %scatter3A_377] : memref<2x64x64xf32, #tpu.memory_space<vmem>> -> memref<1x64x64xf32, #tpu.memory_space<vmem>>
        %scatter3A_379 = tpu.memref_squeeze %scatter3A_378 : memref<1x64x64xf32, #tpu.memory_space<vmem>> -> memref<64x64xf32, #tpu.memory_space<vmem>>
        tpu.vector_store_idx %scatter3A_379[%broadcast_in_dim3A_363, %add3A_372], %mul3A_375 : memref<64x64xf32, #tpu.memory_space<vmem>>[vector<16xi32>, vector<16xi32>], vector<16xf32>,
        %add3A_380 = arith.constant 32 : i32
        %add3A_381 = vector.broadcast %add3A_380 : i32 to vector<16xi32>
        %add3A_382 = arith.addi %mul3A_5, %add3A_381 : vector<16xi32>
        %mul3A_383 = arith.constant 5.000000e-03 : f32
        %mul3A_384 = vector.broadcast %mul3A_383 : f32 to vector<16xf32>
        %mul3A_385 = arith.mulf %add3A_361, %mul3A_384 : vector<16xf32>
        %scatter3A_386 = arith.constant 0 : i32
        %scatter3A_387 = arith.constant 0 : i32
        %scatter3A_388 = tpu.memref_slice %arg7[%scan3A_95, %scatter3A_386, %scatter3A_387] : memref<2x64x64xf32, #tpu.memory_space<vmem>> -> memref<1x64x64xf32, #tpu.memory_space<vmem>>
        %scatter3A_389 = tpu.memref_squeeze %scatter3A_388 : memref<1x64x64xf32, #tpu.memory_space<vmem>> -> memref<64x64xf32, #tpu.memory_space<vmem>>
        tpu.vector_store_idx %scatter3A_389[%broadcast_in_dim3A_363, %add3A_382], %mul3A_385 : memref<64x64xf32, #tpu.memory_space<vmem>>[vector<16xi32>, vector<16xi32>], vector<16xf32>,
        %add3A_390 = arith.constant 33 : i32
        %add3A_391 = vector.broadcast %add3A_390 : i32 to vector<16xi32>
        %add3A_392 = arith.addi %mul3A_5, %add3A_391 : vector<16xi32>
        %mul3A_393 = arith.constant 5.000000e-03 : f32
        %mul3A_394 = vector.broadcast %mul3A_393 : f32 to vector<16xf32>
        %mul3A_395 = arith.mulf %add3A_362, %mul3A_394 : vector<16xf32>
        %scatter3A_396 = arith.constant 0 : i32
        %scatter3A_397 = arith.constant 0 : i32
        %scatter3A_398 = tpu.memref_slice %arg7[%scan3A_95, %scatter3A_396, %scatter3A_397] : memref<2x64x64xf32, #tpu.memory_space<vmem>> -> memref<1x64x64xf32, #tpu.memory_space<vmem>>
        %scatter3A_399 = tpu.memref_squeeze %scatter3A_398 : memref<1x64x64xf32, #tpu.memory_space<vmem>> -> memref<64x64xf32, #tpu.memory_space<vmem>>
        tpu.vector_store_idx %scatter3A_399[%broadcast_in_dim3A_363, %add3A_392], %mul3A_395 : memref<64x64xf32, #tpu.memory_space<vmem>>[vector<16xi32>, vector<16xi32>], vector<16xf32>,
        %scan3A_400 = arith.constant 0 : i32
        scf.yield %scan3A_400 : i32
      }
      %scan3A_102 = arith.constant 64 : i32
      %mul3A_103 = arith.constant 64 : i32
      %mul3A_104 = arith.muli %add3A_75, %mul3A_103 : i32
      %add3A_105 = arith.addi %mul3A_2, %mul3A_104 : i32
      %dma_start3A_106 = arith.constant 0 : i32
      %dma_start3A_107 = arith.constant 0 : i32
      %dma_start3A_108 = arith.constant 0 : i32
      %dma_start3A_109 = tpu.memref_slice %arg7[%dma_start3A_106, %dma_start3A_107, %dma_start3A_108] : memref<2x64x64xf32, #tpu.memory_space<vmem>> -> memref<1x64x64xf32, #tpu.memory_space<vmem>>
      %dma_start3A_110 = tpu.memref_squeeze %dma_start3A_109 : memref<1x64x64xf32, #tpu.memory_space<vmem>> -> memref<64x64xf32, #tpu.memory_space<vmem>>
      %dma_start3A_111 = arith.constant 0 : i32
      %dma_start3A_112 = tpu.memref_slice %arg4[%add3A_105, %dma_start3A_111] : memref<16384x64xf32, #tpu.memory_space<hbm>> -> memref<64x64xf32, #tpu.memory_space<hbm>>
      %dma_start3A_113 = arith.constant 0 : i32
      %dma_start3A_114 = tpu.memref_slice %arg4[%add3A_105, %dma_start3A_113] : memref<16384x64xf32, #tpu.memory_space<hbm>> -> memref<64x64xf32, #tpu.memory_space<hbm>>
      %dma_start3A_115 = arith.constant 0 : i32
      %dma_start3A_116 = arith.constant 0 : i32
      %dma_start3A_117 = tpu.memref_slice %arg7[%dma_start3A_106, %dma_start3A_115, %dma_start3A_116] : memref<2x64x64xf32, #tpu.memory_space<vmem>> -> memref<1x64x64xf32, #tpu.memory_space<vmem>>
      %dma_start3A_118 = tpu.memref_squeeze %dma_start3A_117 : memref<1x64x64xf32, #tpu.memory_space<vmem>> -> memref<64x64xf32, #tpu.memory_space<vmem>>
      tpu.enqueue_dma source(%dma_start3A_118 : memref<64x64xf32, #tpu.memory_space<vmem>>) target(%dma_start3A_114 : memref<64x64xf32, #tpu.memory_space<hbm>>) target_semaphore(%arg10 : memref<!tpu.dma_semaphore, #tpu.memory_space<semaphore_mem>>)
      %add3A_119 = arith.constant 2 : i32
      %add3A_120 = arith.addi %add3A_75, %add3A_119 : i32
      %lt3A = arith.constant 8 : i32
      %lt3A_121 = arith.cmpi slt, %add3A_120, %lt3A : i32
      %convert_element_type3A_122 = arith.extui %lt3A_121 : i1 to i32
      %cond3A_123 = arith.constant 0 : i32
      %cond3A_124 = arith.cmpi ne, %convert_element_type3A_122, %cond3A_123 : i32
      scf.if %cond3A_124 {
        %add3A_183 = arith.constant 2 : i32
        %add3A_184 = arith.addi %add3A_75, %add3A_183 : i32
        %mul3A_185 = arith.constant 64 : i32
        %mul3A_186 = arith.muli %add3A_184, %mul3A_185 : i32
        %add3A_187 = arith.addi %mul3A_2, %mul3A_186 : i32
        %dma_start3A_188 = arith.constant 0 : i32
        %dma_start3A_189 = arith.constant 0 : i32
        %dma_start3A_190 = arith.constant 0 : i32
        %dma_start3A_191 = tpu.memref_slice %arg6[%dma_start3A_188, %dma_start3A_189, %dma_start3A_190] : memref<2x64x208xi32, #tpu.memory_space<vmem>> -> memref<1x64x200xi32, #tpu.memory_space<vmem>>
        %dma_start3A_192 = tpu.memref_squeeze %dma_start3A_191 : memref<1x64x200xi32, #tpu.memory_space<vmem>> -> memref<64x200xi32, #tpu.memory_space<vmem>>
        %dma_start3A_193 = arith.constant 0 : i32
        %dma_start3A_194 = tpu.memref_slice %arg3[%add3A_187, %dma_start3A_193] : memref<16384x200xi32, #tpu.memory_space<hbm>> -> memref<64x200xi32, #tpu.memory_space<hbm>>
        %dma_start3A_195 = arith.constant 0 : i32
        %dma_start3A_196 = arith.constant 0 : i32
        %dma_start3A_197 = tpu.memref_slice %arg6[%dma_start3A_188, %dma_start3A_195, %dma_start3A_196] : memref<2x64x208xi32, #tpu.memory_space<vmem>> -> memref<1x64x200xi32, #tpu.memory_space<vmem>>
        %dma_start3A_198 = tpu.memref_squeeze %dma_start3A_197 : memref<1x64x200xi32, #tpu.memory_space<vmem>> -> memref<64x200xi32, #tpu.memory_space<vmem>>
        %dma_start3A_199 = arith.constant 0 : i32
        %dma_start3A_200 = tpu.memref_slice %arg3[%add3A_187, %dma_start3A_199] : memref<16384x200xi32, #tpu.memory_space<hbm>> -> memref<64x200xi32, #tpu.memory_space<hbm>>
        tpu.enqueue_dma source(%dma_start3A_200 : memref<64x200xi32, #tpu.memory_space<hbm>>) target(%dma_start3A_198 : memref<64x200xi32, #tpu.memory_space<vmem>>) target_semaphore(%arg8 : memref<!tpu.dma_semaphore, #tpu.memory_space<semaphore_mem>>)
      } else {
      }
      %mul3A_125 = arith.constant 2 : i32
      %mul3A_126 = arith.muli %scan3A_70, %mul3A_125 : i32
      %add3A_127 = arith.constant 1 : i32
      %add3A_128 = arith.addi %mul3A_126, %add3A_127 : i32
      %mul3A_129 = arith.constant 64 : i32
      %mul3A_130 = arith.muli %add3A_128, %mul3A_129 : i32
      %add3A_131 = arith.addi %mul3A_2, %mul3A_130 : i32
      %dma_wait3A_132 = arith.constant 1 : i32
      %dma_wait3A_133 = arith.constant 0 : i32
      %dma_wait3A_134 = arith.constant 0 : i32
      %dma_wait3A_135 = tpu.memref_slice %arg6[%dma_wait3A_132, %dma_wait3A_133, %dma_wait3A_134] : memref<2x64x208xi32, #tpu.memory_space<vmem>> -> memref<1x64x200xi32, #tpu.memory_space<vmem>>
      %dma_wait3A_136 = tpu.memref_squeeze %dma_wait3A_135 : memref<1x64x200xi32, #tpu.memory_space<vmem>> -> memref<64x200xi32, #tpu.memory_space<vmem>>
      %dma_wait3A_137 = arith.constant 0 : i32
      %dma_wait3A_138 = tpu.memref_slice %arg3[%add3A_131, %dma_wait3A_137] : memref<16384x200xi32, #tpu.memory_space<hbm>> -> memref<64x200xi32, #tpu.memory_space<hbm>>
      %dma_wait3A_139 = arith.constant 0 : i32
      %dma_wait3A_140 = arith.constant 0 : i32
      %dma_wait3A_141 = tpu.memref_slice %arg6[%dma_wait3A_132, %dma_wait3A_139, %dma_wait3A_140] : memref<2x64x208xi32, #tpu.memory_space<vmem>> -> memref<1x64x200xi32, #tpu.memory_space<vmem>>
      %dma_wait3A_142 = tpu.memref_squeeze %dma_wait3A_141 : memref<1x64x200xi32, #tpu.memory_space<vmem>> -> memref<64x200xi32, #tpu.memory_space<vmem>>
      %dma_wait3A_143 = arith.constant 0 : i32
      %dma_wait3A_144 = tpu.memref_slice %arg3[%add3A_131, %dma_wait3A_143] : memref<16384x200xi32, #tpu.memory_space<hbm>> -> memref<64x200xi32, #tpu.memory_space<hbm>>
      tpu.wait_dma2 semaphore(%arg9 : memref<!tpu.dma_semaphore, #tpu.memory_space<semaphore_mem>>) src(%dma_wait3A_144 : memref<64x200xi32, #tpu.memory_space<hbm>>) dst(%dma_wait3A_142 : memref<64x200xi32, #tpu.memory_space<vmem>>)
      %ge3A_145 = arith.constant 2 : i32
      %ge3A_146 = arith.cmpi sge, %add3A_128, %ge3A_145 : i32
      %convert_element_type3A_147 = arith.extui %ge3A_146 : i1 to i32
      %cond3A_148 = arith.constant 0 : i32
      %cond3A_149 = arith.cmpi ne, %convert_element_type3A_147, %cond3A_148 : i32
      scf.if %cond3A_149 {
        %sub3A = arith.constant 2 : i32
        %sub3A_183 = arith.subi %add3A_128, %sub3A : i32
        %mul3A_184 = arith.constant 64 : i32
        %mul3A_185 = arith.muli %sub3A_183, %mul3A_184 : i32
        %add3A_186 = arith.addi %mul3A_2, %mul3A_185 : i32
        %dma_wait3A_187 = arith.constant 1 : i32
        %dma_wait3A_188 = arith.constant 0 : i32
        %dma_wait3A_189 = arith.constant 0 : i32
        %dma_wait3A_190 = tpu.memref_slice %arg7[%dma_wait3A_187, %dma_wait3A_188, %dma_wait3A_189] : memref<2x64x64xf32, #tpu.memory_space<vmem>> -> memref<1x64x64xf32, #tpu.memory_space<vmem>>
        %dma_wait3A_191 = tpu.memref_squeeze %dma_wait3A_190 : memref<1x64x64xf32, #tpu.memory_space<vmem>> -> memref<64x64xf32, #tpu.memory_space<vmem>>
        %dma_wait3A_192 = arith.constant 0 : i32
        %dma_wait3A_193 = tpu.memref_slice %arg4[%add3A_186, %dma_wait3A_192] : memref<16384x64xf32, #tpu.memory_space<hbm>> -> memref<64x64xf32, #tpu.memory_space<hbm>>
        %dma_wait3A_194 = arith.constant 0 : i32
        %dma_wait3A_195 = tpu.memref_slice %arg4[%add3A_186, %dma_wait3A_194] : memref<16384x64xf32, #tpu.memory_space<hbm>> -> memref<64x64xf32, #tpu.memory_space<hbm>>
        %dma_wait3A_196 = arith.constant 0 : i32
        %dma_wait3A_197 = arith.constant 0 : i32
        %dma_wait3A_198 = tpu.memref_slice %arg7[%dma_wait3A_187, %dma_wait3A_196, %dma_wait3A_197] : memref<2x64x64xf32, #tpu.memory_space<vmem>> -> memref<1x64x64xf32, #tpu.memory_space<vmem>>
        %dma_wait3A_199 = tpu.memref_squeeze %dma_wait3A_198 : memref<1x64x64xf32, #tpu.memory_space<vmem>> -> memref<64x64xf32, #tpu.memory_space<vmem>>
        tpu.wait_dma2 semaphore(%arg11 : memref<!tpu.dma_semaphore, #tpu.memory_space<semaphore_mem>>) src(%dma_wait3A_199 : memref<64x64xf32, #tpu.memory_space<vmem>>) dst(%dma_wait3A_195 : memref<64x64xf32, #tpu.memory_space<hbm>>)
      } else {
      }
      %scan3A_150 = arith.constant 1 : i32
      %scan3A_151 = arith.constant 1 : i32
      %scan3A_152 = arith.constant 0 : i32
      %scan3A_153 = arith.constant 0 : i32
      %scan3A_154 = arith.constant 64 : i32
      %scan3A_155 = arith.addi %scan3A_153, %scan3A_154 : i32
      %scan3A_156 = arith.constant 1 : i32
      %scan3A_157 = scf.for %scan3A_183 = %scan3A_153 to %scan3A_155 step %scan3A_156 iter_args(%scan3A_184 = %scan3A_152) -> (i32)  : i32 {
        %broadcast_in_dim3A = arith.constant 0.000000e+00 : f32
        %broadcast_in_dim3A_185 = vector.broadcast %broadcast_in_dim3A : f32 to vector<16xf32>
        %scan3A_186 = arith.constant 0 : i32
        %scan3A_187 = arith.constant 12 : i32
        %scan3A_188 = arith.addi %scan3A_186, %scan3A_187 : i32
        %scan3A_189 = arith.constant 1 : i32
        %scan3A_190:8 = scf.for %scan3A_401 = %scan3A_186 to %scan3A_188 step %scan3A_189 iter_args(%scan3A_402 = %broadcast_in_dim3A_185, %scan3A_403 = %broadcast_in_dim3A_185, %scan3A_404 = %broadcast_in_dim3A_185, %scan3A_405 = %broadcast_in_dim3A_185, %scan3A_406 = %broadcast_in_dim3A_185, %scan3A_407 = %broadcast_in_dim3A_185, %scan3A_408 = %broadcast_in_dim3A_185, %scan3A_409 = %broadcast_in_dim3A_185) -> (vector<16xf32>, vector<16xf32>, vector<16xf32>, vector<16xf32>, vector<16xf32>, vector<16xf32>, vector<16xf32>, vector<16xf32>)  : i32 {
          %mul3A_410 = arith.constant 16 : i32
          %mul3A_411 = arith.muli %scan3A_401, %mul3A_410 : i32
          %multiple_of3A_412 = tpu.assume_multiple %mul3A_411, 16 : i32
          %get3A_413 = arith.constant 0 : i32
          %get3A_414 = arith.constant 0 : i32
          %get3A_415 = tpu.memref_slice %arg6[%scan3A_150, %get3A_413, %get3A_414] : memref<2x64x208xi32, #tpu.memory_space<vmem>> -> memref<1x64x208xi32, #tpu.memory_space<vmem>>
          %get3A_416 = tpu.memref_squeeze %get3A_415 : memref<1x64x208xi32, #tpu.memory_space<vmem>> -> memref<64x208xi32, #tpu.memory_space<vmem>>
          %get3A_417 = arith.index_cast %scan3A_183 : i32 to index
          %get3A_418 = arith.index_cast %multiple_of3A_412 : i32 to index
          %get3A_419 = tpu.vector_load %get3A_416[%get3A_417, %get3A_418] {strides = array<i32>} : memref<64x208xi32, #tpu.memory_space<vmem>>, vector<16xi32>,
          %slice3A_420 = vector.extract_strided_slice %get3A_419 {offsets = [0], sizes = [1], strides = [1]} : vector<16xi32> to vector<1xi32>
          %squeeze3A_421 = vector.extract %slice3A_420[0] : i32 from vector<1xi32>
          %mul3A_422 = arith.constant 32 : i32
          %mul3A_423 = arith.muli %squeeze3A_421, %mul3A_422 : i32
          %multiple_of3A_424 = tpu.assume_multiple %mul3A_423, 16 : i32
          %get3A_425 = arith.index_cast %multiple_of3A_424 : i32 to index
          %get3A_426 = tpu.vector_load %arg5[%get3A_425] {strides = array<i32>} : memref<32800xi32, #tpu.memory_space<vmem>>, vector<16xi32>,
          %bitcast3A_427 = vector.bitcast %get3A_426 : vector<16xi32> to vector<32xbf16>
          %add3A_428 = arith.constant 16 : i32
          %add3A_429 = arith.addi %multiple_of3A_424, %add3A_428 : i32
          %multiple_of3A_430 = tpu.assume_multiple %add3A_429, 16 : i32
          %get3A_431 = arith.index_cast %multiple_of3A_430 : i32 to index
          %get3A_432 = tpu.vector_load %arg5[%get3A_431] {strides = array<i32>} : memref<32800xi32, #tpu.memory_space<vmem>>, vector<16xi32>,
          %bitcast3A_433 = vector.bitcast %get3A_432 : vector<16xi32> to vector<32xbf16>
          %slice3A_434 = vector.extract_strided_slice %get3A_419 {offsets = [1], sizes = [1], strides = [1]} : vector<16xi32> to vector<1xi32>
          %squeeze3A_435 = vector.extract %slice3A_434[0] : i32 from vector<1xi32>
          %mul3A_436 = arith.constant 32 : i32
          %mul3A_437 = arith.muli %squeeze3A_435, %mul3A_436 : i32
          %multiple_of3A_438 = tpu.assume_multiple %mul3A_437, 16 : i32
          %get3A_439 = arith.index_cast %multiple_of3A_438 : i32 to index
          %get3A_440 = tpu.vector_load %arg5[%get3A_439] {strides = array<i32>} : memref<32800xi32, #tpu.memory_space<vmem>>, vector<16xi32>,
          %bitcast3A_441 = vector.bitcast %get3A_440 : vector<16xi32> to vector<32xbf16>
          %add3A_442 = arith.constant 16 : i32
          %add3A_443 = arith.addi %multiple_of3A_438, %add3A_442 : i32
          %multiple_of3A_444 = tpu.assume_multiple %add3A_443, 16 : i32
          %get3A_445 = arith.index_cast %multiple_of3A_444 : i32 to index
          %get3A_446 = tpu.vector_load %arg5[%get3A_445] {strides = array<i32>} : memref<32800xi32, #tpu.memory_space<vmem>>, vector<16xi32>,
          %bitcast3A_447 = vector.bitcast %get3A_446 : vector<16xi32> to vector<32xbf16>
          %slice3A_448 = vector.extract_strided_slice %get3A_419 {offsets = [2], sizes = [1], strides = [1]} : vector<16xi32> to vector<1xi32>
          %squeeze3A_449 = vector.extract %slice3A_448[0] : i32 from vector<1xi32>
          %mul3A_450 = arith.constant 32 : i32
          %mul3A_451 = arith.muli %squeeze3A_449, %mul3A_450 : i32
          %multiple_of3A_452 = tpu.assume_multiple %mul3A_451, 16 : i32
          %get3A_453 = arith.index_cast %multiple_of3A_452 : i32 to index
          %get3A_454 = tpu.vector_load %arg5[%get3A_453] {strides = array<i32>} : memref<32800xi32, #tpu.memory_space<vmem>>, vector<16xi32>,
          %bitcast3A_455 = vector.bitcast %get3A_454 : vector<16xi32> to vector<32xbf16>
          %add3A_456 = arith.constant 16 : i32
          %add3A_457 = arith.addi %multiple_of3A_452, %add3A_456 : i32
          %multiple_of3A_458 = tpu.assume_multiple %add3A_457, 16 : i32
          %get3A_459 = arith.index_cast %multiple_of3A_458 : i32 to index
          %get3A_460 = tpu.vector_load %arg5[%get3A_459] {strides = array<i32>} : memref<32800xi32, #tpu.memory_space<vmem>>, vector<16xi32>,
          %bitcast3A_461 = vector.bitcast %get3A_460 : vector<16xi32> to vector<32xbf16>
          %slice3A_462 = vector.extract_strided_slice %get3A_419 {offsets = [3], sizes = [1], strides = [1]} : vector<16xi32> to vector<1xi32>
          %squeeze3A_463 = vector.extract %slice3A_462[0] : i32 from vector<1xi32>
          %mul3A_464 = arith.constant 32 : i32
          %mul3A_465 = arith.muli %squeeze3A_463, %mul3A_464 : i32
          %multiple_of3A_466 = tpu.assume_multiple %mul3A_465, 16 : i32
          %get3A_467 = arith.index_cast %multiple_of3A_466 : i32 to index
          %get3A_468 = tpu.vector_load %arg5[%get3A_467] {strides = array<i32>} : memref<32800xi32, #tpu.memory_space<vmem>>, vector<16xi32>,
          %bitcast3A_469 = vector.bitcast %get3A_468 : vector<16xi32> to vector<32xbf16>
          %add3A_470 = arith.constant 16 : i32
          %add3A_471 = arith.addi %multiple_of3A_466, %add3A_470 : i32
          %multiple_of3A_472 = tpu.assume_multiple %add3A_471, 16 : i32
          %get3A_473 = arith.index_cast %multiple_of3A_472 : i32 to index
          %get3A_474 = tpu.vector_load %arg5[%get3A_473] {strides = array<i32>} : memref<32800xi32, #tpu.memory_space<vmem>>, vector<16xi32>,
          %bitcast3A_475 = vector.bitcast %get3A_474 : vector<16xi32> to vector<32xbf16>
          %add3A_476 = arith.addf %bitcast3A_427, %bitcast3A_441 : vector<32xbf16>
          %add3A_477 = arith.addf %bitcast3A_455, %bitcast3A_469 : vector<32xbf16>
          %add3A_478 = arith.addf %add3A_476, %add3A_477 : vector<32xbf16>
          %bitcast3A_479 = vector.bitcast %add3A_478 : vector<32xbf16> to vector<16xi32>
          %add3A_480 = arith.addf %bitcast3A_433, %bitcast3A_447 : vector<32xbf16>
          %add3A_481 = arith.addf %bitcast3A_461, %bitcast3A_475 : vector<32xbf16>
          %add3A_482 = arith.addf %add3A_480, %add3A_481 : vector<32xbf16>
          %bitcast3A_483 = vector.bitcast %add3A_482 : vector<32xbf16> to vector<16xi32>
          %shift_left3A_484 = arith.constant 16 : i32
          %shift_left3A_485 = vector.broadcast %shift_left3A_484 : i32 to vector<16xi32>
          %shift_left3A_486 = arith.shli %bitcast3A_479, %shift_left3A_485 : vector<16xi32>
          %bitcast_convert_type3A_487 = tpu.bitcast %shift_left3A_486 : vector<16xi32> -> vector<16xf32>
          %add3A_488 = arith.addf %scan3A_402, %bitcast_convert_type3A_487 : vector<16xf32>
          %and3A_489 = arith.constant -65536 : i32
          %and3A_490 = vector.broadcast %and3A_489 : i32 to vector<16xi32>
          %and3A_491 = arith.andi %bitcast3A_479, %and3A_490 : vector<16xi32>
          %bitcast_convert_type3A_492 = tpu.bitcast %and3A_491 : vector<16xi32> -> vector<16xf32>
          %add3A_493 = arith.addf %scan3A_403, %bitcast_convert_type3A_492 : vector<16xf32>
          %shift_left3A_494 = arith.constant 16 : i32
          %shift_left3A_495 = vector.broadcast %shift_left3A_494 : i32 to vector<16xi32>
          %shift_left3A_496 = arith.shli %bitcast3A_483, %shift_left3A_495 : vector<16xi32>
          %bitcast_convert_type3A_497 = tpu.bitcast %shift_left3A_496 : vector<16xi32> -> vector<16xf32>
          %add3A_498 = arith.addf %scan3A_404, %bitcast_convert_type3A_497 : vector<16xf32>
          %and3A_499 = arith.constant -65536 : i32
          %and3A_500 = vector.broadcast %and3A_499 : i32 to vector<16xi32>
          %and3A_501 = arith.andi %bitcast3A_483, %and3A_500 : vector<16xi32>
          %bitcast_convert_type3A_502 = tpu.bitcast %and3A_501 : vector<16xi32> -> vector<16xf32>
          %add3A_503 = arith.addf %scan3A_405, %bitcast_convert_type3A_502 : vector<16xf32>
          %slice3A_504 = vector.extract_strided_slice %get3A_419 {offsets = [4], sizes = [1], strides = [1]} : vector<16xi32> to vector<1xi32>
          %squeeze3A_505 = vector.extract %slice3A_504[0] : i32 from vector<1xi32>
          %mul3A_506 = arith.constant 32 : i32
          %mul3A_507 = arith.muli %squeeze3A_505, %mul3A_506 : i32
          %multiple_of3A_508 = tpu.assume_multiple %mul3A_507, 16 : i32
          %get3A_509 = arith.index_cast %multiple_of3A_508 : i32 to index
          %get3A_510 = tpu.vector_load %arg5[%get3A_509] {strides = array<i32>} : memref<32800xi32, #tpu.memory_space<vmem>>, vector<16xi32>,
          %bitcast3A_511 = vector.bitcast %get3A_510 : vector<16xi32> to vector<32xbf16>
          %add3A_512 = arith.constant 16 : i32
          %add3A_513 = arith.addi %multiple_of3A_508, %add3A_512 : i32
          %multiple_of3A_514 = tpu.assume_multiple %add3A_513, 16 : i32
          %get3A_515 = arith.index_cast %multiple_of3A_514 : i32 to index
          %get3A_516 = tpu.vector_load %arg5[%get3A_515] {strides = array<i32>} : memref<32800xi32, #tpu.memory_space<vmem>>, vector<16xi32>,
          %bitcast3A_517 = vector.bitcast %get3A_516 : vector<16xi32> to vector<32xbf16>
          %slice3A_518 = vector.extract_strided_slice %get3A_419 {offsets = [5], sizes = [1], strides = [1]} : vector<16xi32> to vector<1xi32>
          %squeeze3A_519 = vector.extract %slice3A_518[0] : i32 from vector<1xi32>
          %mul3A_520 = arith.constant 32 : i32
          %mul3A_521 = arith.muli %squeeze3A_519, %mul3A_520 : i32
          %multiple_of3A_522 = tpu.assume_multiple %mul3A_521, 16 : i32
          %get3A_523 = arith.index_cast %multiple_of3A_522 : i32 to index
          %get3A_524 = tpu.vector_load %arg5[%get3A_523] {strides = array<i32>} : memref<32800xi32, #tpu.memory_space<vmem>>, vector<16xi32>,
          %bitcast3A_525 = vector.bitcast %get3A_524 : vector<16xi32> to vector<32xbf16>
          %add3A_526 = arith.constant 16 : i32
          %add3A_527 = arith.addi %multiple_of3A_522, %add3A_526 : i32
          %multiple_of3A_528 = tpu.assume_multiple %add3A_527, 16 : i32
          %get3A_529 = arith.index_cast %multiple_of3A_528 : i32 to index
          %get3A_530 = tpu.vector_load %arg5[%get3A_529] {strides = array<i32>} : memref<32800xi32, #tpu.memory_space<vmem>>, vector<16xi32>,
          %bitcast3A_531 = vector.bitcast %get3A_530 : vector<16xi32> to vector<32xbf16>
          %slice3A_532 = vector.extract_strided_slice %get3A_419 {offsets = [6], sizes = [1], strides = [1]} : vector<16xi32> to vector<1xi32>
          %squeeze3A_533 = vector.extract %slice3A_532[0] : i32 from vector<1xi32>
          %mul3A_534 = arith.constant 32 : i32
          %mul3A_535 = arith.muli %squeeze3A_533, %mul3A_534 : i32
          %multiple_of3A_536 = tpu.assume_multiple %mul3A_535, 16 : i32
          %get3A_537 = arith.index_cast %multiple_of3A_536 : i32 to index
          %get3A_538 = tpu.vector_load %arg5[%get3A_537] {strides = array<i32>} : memref<32800xi32, #tpu.memory_space<vmem>>, vector<16xi32>,
          %bitcast3A_539 = vector.bitcast %get3A_538 : vector<16xi32> to vector<32xbf16>
          %add3A_540 = arith.constant 16 : i32
          %add3A_541 = arith.addi %multiple_of3A_536, %add3A_540 : i32
          %multiple_of3A_542 = tpu.assume_multiple %add3A_541, 16 : i32
          %get3A_543 = arith.index_cast %multiple_of3A_542 : i32 to index
          %get3A_544 = tpu.vector_load %arg5[%get3A_543] {strides = array<i32>} : memref<32800xi32, #tpu.memory_space<vmem>>, vector<16xi32>,
          %bitcast3A_545 = vector.bitcast %get3A_544 : vector<16xi32> to vector<32xbf16>
          %slice3A_546 = vector.extract_strided_slice %get3A_419 {offsets = [7], sizes = [1], strides = [1]} : vector<16xi32> to vector<1xi32>
          %squeeze3A_547 = vector.extract %slice3A_546[0] : i32 from vector<1xi32>
          %mul3A_548 = arith.constant 32 : i32
          %mul3A_549 = arith.muli %squeeze3A_547, %mul3A_548 : i32
          %multiple_of3A_550 = tpu.assume_multiple %mul3A_549, 16 : i32
          %get3A_551 = arith.index_cast %multiple_of3A_550 : i32 to index
          %get3A_552 = tpu.vector_load %arg5[%get3A_551] {strides = array<i32>} : memref<32800xi32, #tpu.memory_space<vmem>>, vector<16xi32>,
          %bitcast3A_553 = vector.bitcast %get3A_552 : vector<16xi32> to vector<32xbf16>
          %add3A_554 = arith.constant 16 : i32
          %add3A_555 = arith.addi %multiple_of3A_550, %add3A_554 : i32
          %multiple_of3A_556 = tpu.assume_multiple %add3A_555, 16 : i32
          %get3A_557 = arith.index_cast %multiple_of3A_556 : i32 to index
          %get3A_558 = tpu.vector_load %arg5[%get3A_557] {strides = array<i32>} : memref<32800xi32, #tpu.memory_space<vmem>>, vector<16xi32>,
          %bitcast3A_559 = vector.bitcast %get3A_558 : vector<16xi32> to vector<32xbf16>
          %add3A_560 = arith.addf %bitcast3A_511, %bitcast3A_525 : vector<32xbf16>
          %add3A_561 = arith.addf %bitcast3A_539, %bitcast3A_553 : vector<32xbf16>
          %add3A_562 = arith.addf %add3A_560, %add3A_561 : vector<32xbf16>
          %bitcast3A_563 = vector.bitcast %add3A_562 : vector<32xbf16> to vector<16xi32>
          %add3A_564 = arith.addf %bitcast3A_517, %bitcast3A_531 : vector<32xbf16>
          %add3A_565 = arith.addf %bitcast3A_545, %bitcast3A_559 : vector<32xbf16>
          %add3A_566 = arith.addf %add3A_564, %add3A_565 : vector<32xbf16>
          %bitcast3A_567 = vector.bitcast %add3A_566 : vector<32xbf16> to vector<16xi32>
          %shift_left3A_568 = arith.constant 16 : i32
          %shift_left3A_569 = vector.broadcast %shift_left3A_568 : i32 to vector<16xi32>
          %shift_left3A_570 = arith.shli %bitcast3A_563, %shift_left3A_569 : vector<16xi32>
          %bitcast_convert_type3A_571 = tpu.bitcast %shift_left3A_570 : vector<16xi32> -> vector<16xf32>
          %add3A_572 = arith.addf %scan3A_406, %bitcast_convert_type3A_571 : vector<16xf32>
          %and3A_573 = arith.constant -65536 : i32
          %and3A_574 = vector.broadcast %and3A_573 : i32 to vector<16xi32>
          %and3A_575 = arith.andi %bitcast3A_563, %and3A_574 : vector<16xi32>
          %bitcast_convert_type3A_576 = tpu.bitcast %and3A_575 : vector<16xi32> -> vector<16xf32>
          %add3A_577 = arith.addf %scan3A_407, %bitcast_convert_type3A_576 : vector<16xf32>
          %shift_left3A_578 = arith.constant 16 : i32
          %shift_left3A_579 = vector.broadcast %shift_left3A_578 : i32 to vector<16xi32>
          %shift_left3A_580 = arith.shli %bitcast3A_567, %shift_left3A_579 : vector<16xi32>
          %bitcast_convert_type3A_581 = tpu.bitcast %shift_left3A_580 : vector<16xi32> -> vector<16xf32>
          %add3A_582 = arith.addf %scan3A_408, %bitcast_convert_type3A_581 : vector<16xf32>
          %and3A_583 = arith.constant -65536 : i32
          %and3A_584 = vector.broadcast %and3A_583 : i32 to vector<16xi32>
          %and3A_585 = arith.andi %bitcast3A_567, %and3A_584 : vector<16xi32>
          %bitcast_convert_type3A_586 = tpu.bitcast %and3A_585 : vector<16xi32> -> vector<16xf32>
          %add3A_587 = arith.addf %scan3A_409, %bitcast_convert_type3A_586 : vector<16xf32>
          %slice3A_588 = vector.extract_strided_slice %get3A_419 {offsets = [8], sizes = [1], strides = [1]} : vector<16xi32> to vector<1xi32>
          %squeeze3A_589 = vector.extract %slice3A_588[0] : i32 from vector<1xi32>
          %mul3A_590 = arith.constant 32 : i32
          %mul3A_591 = arith.muli %squeeze3A_589, %mul3A_590 : i32
          %multiple_of3A_592 = tpu.assume_multiple %mul3A_591, 16 : i32
          %get3A_593 = arith.index_cast %multiple_of3A_592 : i32 to index
          %get3A_594 = tpu.vector_load %arg5[%get3A_593] {strides = array<i32>} : memref<32800xi32, #tpu.memory_space<vmem>>, vector<16xi32>,
          %bitcast3A_595 = vector.bitcast %get3A_594 : vector<16xi32> to vector<32xbf16>
          %add3A_596 = arith.constant 16 : i32
          %add3A_597 = arith.addi %multiple_of3A_592, %add3A_596 : i32
          %multiple_of3A_598 = tpu.assume_multiple %add3A_597, 16 : i32
          %get3A_599 = arith.index_cast %multiple_of3A_598 : i32 to index
          %get3A_600 = tpu.vector_load %arg5[%get3A_599] {strides = array<i32>} : memref<32800xi32, #tpu.memory_space<vmem>>, vector<16xi32>,
          %bitcast3A_601 = vector.bitcast %get3A_600 : vector<16xi32> to vector<32xbf16>
          %slice3A_602 = vector.extract_strided_slice %get3A_419 {offsets = [9], sizes = [1], strides = [1]} : vector<16xi32> to vector<1xi32>
          %squeeze3A_603 = vector.extract %slice3A_602[0] : i32 from vector<1xi32>
          %mul3A_604 = arith.constant 32 : i32
          %mul3A_605 = arith.muli %squeeze3A_603, %mul3A_604 : i32
          %multiple_of3A_606 = tpu.assume_multiple %mul3A_605, 16 : i32
          %get3A_607 = arith.index_cast %multiple_of3A_606 : i32 to index
          %get3A_608 = tpu.vector_load %arg5[%get3A_607] {strides = array<i32>} : memref<32800xi32, #tpu.memory_space<vmem>>, vector<16xi32>,
          %bitcast3A_609 = vector.bitcast %get3A_608 : vector<16xi32> to vector<32xbf16>
          %add3A_610 = arith.constant 16 : i32
          %add3A_611 = arith.addi %multiple_of3A_606, %add3A_610 : i32
          %multiple_of3A_612 = tpu.assume_multiple %add3A_611, 16 : i32
          %get3A_613 = arith.index_cast %multiple_of3A_612 : i32 to index
          %get3A_614 = tpu.vector_load %arg5[%get3A_613] {strides = array<i32>} : memref<32800xi32, #tpu.memory_space<vmem>>, vector<16xi32>,
          %bitcast3A_615 = vector.bitcast %get3A_614 : vector<16xi32> to vector<32xbf16>
          %slice3A_616 = vector.extract_strided_slice %get3A_419 {offsets = [10], sizes = [1], strides = [1]} : vector<16xi32> to vector<1xi32>
          %squeeze3A_617 = vector.extract %slice3A_616[0] : i32 from vector<1xi32>
          %mul3A_618 = arith.constant 32 : i32
          %mul3A_619 = arith.muli %squeeze3A_617, %mul3A_618 : i32
          %multiple_of3A_620 = tpu.assume_multiple %mul3A_619, 16 : i32
          %get3A_621 = arith.index_cast %multiple_of3A_620 : i32 to index
          %get3A_622 = tpu.vector_load %arg5[%get3A_621] {strides = array<i32>} : memref<32800xi32, #tpu.memory_space<vmem>>, vector<16xi32>,
          %bitcast3A_623 = vector.bitcast %get3A_622 : vector<16xi32> to vector<32xbf16>
          %add3A_624 = arith.constant 16 : i32
          %add3A_625 = arith.addi %multiple_of3A_620, %add3A_624 : i32
          %multiple_of3A_626 = tpu.assume_multiple %add3A_625, 16 : i32
          %get3A_627 = arith.index_cast %multiple_of3A_626 : i32 to index
          %get3A_628 = tpu.vector_load %arg5[%get3A_627] {strides = array<i32>} : memref<32800xi32, #tpu.memory_space<vmem>>, vector<16xi32>,
          %bitcast3A_629 = vector.bitcast %get3A_628 : vector<16xi32> to vector<32xbf16>
          %slice3A_630 = vector.extract_strided_slice %get3A_419 {offsets = [11], sizes = [1], strides = [1]} : vector<16xi32> to vector<1xi32>
          %squeeze3A_631 = vector.extract %slice3A_630[0] : i32 from vector<1xi32>
          %mul3A_632 = arith.constant 32 : i32
          %mul3A_633 = arith.muli %squeeze3A_631, %mul3A_632 : i32
          %multiple_of3A_634 = tpu.assume_multiple %mul3A_633, 16 : i32
          %get3A_635 = arith.index_cast %multiple_of3A_634 : i32 to index
          %get3A_636 = tpu.vector_load %arg5[%get3A_635] {strides = array<i32>} : memref<32800xi32, #tpu.memory_space<vmem>>, vector<16xi32>,
          %bitcast3A_637 = vector.bitcast %get3A_636 : vector<16xi32> to vector<32xbf16>
          %add3A_638 = arith.constant 16 : i32
          %add3A_639 = arith.addi %multiple_of3A_634, %add3A_638 : i32
          %multiple_of3A_640 = tpu.assume_multiple %add3A_639, 16 : i32
          %get3A_641 = arith.index_cast %multiple_of3A_640 : i32 to index
          %get3A_642 = tpu.vector_load %arg5[%get3A_641] {strides = array<i32>} : memref<32800xi32, #tpu.memory_space<vmem>>, vector<16xi32>,
          %bitcast3A_643 = vector.bitcast %get3A_642 : vector<16xi32> to vector<32xbf16>
          %add3A_644 = arith.addf %bitcast3A_595, %bitcast3A_609 : vector<32xbf16>
          %add3A_645 = arith.addf %bitcast3A_623, %bitcast3A_637 : vector<32xbf16>
          %add3A_646 = arith.addf %add3A_644, %add3A_645 : vector<32xbf16>
          %bitcast3A_647 = vector.bitcast %add3A_646 : vector<32xbf16> to vector<16xi32>
          %add3A_648 = arith.addf %bitcast3A_601, %bitcast3A_615 : vector<32xbf16>
          %add3A_649 = arith.addf %bitcast3A_629, %bitcast3A_643 : vector<32xbf16>
          %add3A_650 = arith.addf %add3A_648, %add3A_649 : vector<32xbf16>
          %bitcast3A_651 = vector.bitcast %add3A_650 : vector<32xbf16> to vector<16xi32>
          %shift_left3A_652 = arith.constant 16 : i32
          %shift_left3A_653 = vector.broadcast %shift_left3A_652 : i32 to vector<16xi32>
          %shift_left3A_654 = arith.shli %bitcast3A_647, %shift_left3A_653 : vector<16xi32>
          %bitcast_convert_type3A_655 = tpu.bitcast %shift_left3A_654 : vector<16xi32> -> vector<16xf32>
          %add3A_656 = arith.addf %add3A_488, %bitcast_convert_type3A_655 : vector<16xf32>
          %and3A_657 = arith.constant -65536 : i32
          %and3A_658 = vector.broadcast %and3A_657 : i32 to vector<16xi32>
          %and3A_659 = arith.andi %bitcast3A_647, %and3A_658 : vector<16xi32>
          %bitcast_convert_type3A_660 = tpu.bitcast %and3A_659 : vector<16xi32> -> vector<16xf32>
          %add3A_661 = arith.addf %add3A_493, %bitcast_convert_type3A_660 : vector<16xf32>
          %shift_left3A_662 = arith.constant 16 : i32
          %shift_left3A_663 = vector.broadcast %shift_left3A_662 : i32 to vector<16xi32>
          %shift_left3A_664 = arith.shli %bitcast3A_651, %shift_left3A_663 : vector<16xi32>
          %bitcast_convert_type3A_665 = tpu.bitcast %shift_left3A_664 : vector<16xi32> -> vector<16xf32>
          %add3A_666 = arith.addf %add3A_498, %bitcast_convert_type3A_665 : vector<16xf32>
          %and3A_667 = arith.constant -65536 : i32
          %and3A_668 = vector.broadcast %and3A_667 : i32 to vector<16xi32>
          %and3A_669 = arith.andi %bitcast3A_651, %and3A_668 : vector<16xi32>
          %bitcast_convert_type3A_670 = tpu.bitcast %and3A_669 : vector<16xi32> -> vector<16xf32>
          %add3A_671 = arith.addf %add3A_503, %bitcast_convert_type3A_670 : vector<16xf32>
          %slice3A_672 = vector.extract_strided_slice %get3A_419 {offsets = [12], sizes = [1], strides = [1]} : vector<16xi32> to vector<1xi32>
          %squeeze3A_673 = vector.extract %slice3A_672[0] : i32 from vector<1xi32>
          %mul3A_674 = arith.constant 32 : i32
          %mul3A_675 = arith.muli %squeeze3A_673, %mul3A_674 : i32
          %multiple_of3A_676 = tpu.assume_multiple %mul3A_675, 16 : i32
          %get3A_677 = arith.index_cast %multiple_of3A_676 : i32 to index
          %get3A_678 = tpu.vector_load %arg5[%get3A_677] {strides = array<i32>} : memref<32800xi32, #tpu.memory_space<vmem>>, vector<16xi32>,
          %bitcast3A_679 = vector.bitcast %get3A_678 : vector<16xi32> to vector<32xbf16>
          %add3A_680 = arith.constant 16 : i32
          %add3A_681 = arith.addi %multiple_of3A_676, %add3A_680 : i32
          %multiple_of3A_682 = tpu.assume_multiple %add3A_681, 16 : i32
          %get3A_683 = arith.index_cast %multiple_of3A_682 : i32 to index
          %get3A_684 = tpu.vector_load %arg5[%get3A_683] {strides = array<i32>} : memref<32800xi32, #tpu.memory_space<vmem>>, vector<16xi32>,
          %bitcast3A_685 = vector.bitcast %get3A_684 : vector<16xi32> to vector<32xbf16>
          %slice3A_686 = vector.extract_strided_slice %get3A_419 {offsets = [13], sizes = [1], strides = [1]} : vector<16xi32> to vector<1xi32>
          %squeeze3A_687 = vector.extract %slice3A_686[0] : i32 from vector<1xi32>
          %mul3A_688 = arith.constant 32 : i32
          %mul3A_689 = arith.muli %squeeze3A_687, %mul3A_688 : i32
          %multiple_of3A_690 = tpu.assume_multiple %mul3A_689, 16 : i32
          %get3A_691 = arith.index_cast %multiple_of3A_690 : i32 to index
          %get3A_692 = tpu.vector_load %arg5[%get3A_691] {strides = array<i32>} : memref<32800xi32, #tpu.memory_space<vmem>>, vector<16xi32>,
          %bitcast3A_693 = vector.bitcast %get3A_692 : vector<16xi32> to vector<32xbf16>
          %add3A_694 = arith.constant 16 : i32
          %add3A_695 = arith.addi %multiple_of3A_690, %add3A_694 : i32
          %multiple_of3A_696 = tpu.assume_multiple %add3A_695, 16 : i32
          %get3A_697 = arith.index_cast %multiple_of3A_696 : i32 to index
          %get3A_698 = tpu.vector_load %arg5[%get3A_697] {strides = array<i32>} : memref<32800xi32, #tpu.memory_space<vmem>>, vector<16xi32>,
          %bitcast3A_699 = vector.bitcast %get3A_698 : vector<16xi32> to vector<32xbf16>
          %slice3A_700 = vector.extract_strided_slice %get3A_419 {offsets = [14], sizes = [1], strides = [1]} : vector<16xi32> to vector<1xi32>
          %squeeze3A_701 = vector.extract %slice3A_700[0] : i32 from vector<1xi32>
          %mul3A_702 = arith.constant 32 : i32
          %mul3A_703 = arith.muli %squeeze3A_701, %mul3A_702 : i32
          %multiple_of3A_704 = tpu.assume_multiple %mul3A_703, 16 : i32
          %get3A_705 = arith.index_cast %multiple_of3A_704 : i32 to index
          %get3A_706 = tpu.vector_load %arg5[%get3A_705] {strides = array<i32>} : memref<32800xi32, #tpu.memory_space<vmem>>, vector<16xi32>,
          %bitcast3A_707 = vector.bitcast %get3A_706 : vector<16xi32> to vector<32xbf16>
          %add3A_708 = arith.constant 16 : i32
          %add3A_709 = arith.addi %multiple_of3A_704, %add3A_708 : i32
          %multiple_of3A_710 = tpu.assume_multiple %add3A_709, 16 : i32
          %get3A_711 = arith.index_cast %multiple_of3A_710 : i32 to index
          %get3A_712 = tpu.vector_load %arg5[%get3A_711] {strides = array<i32>} : memref<32800xi32, #tpu.memory_space<vmem>>, vector<16xi32>,
          %bitcast3A_713 = vector.bitcast %get3A_712 : vector<16xi32> to vector<32xbf16>
          %slice3A_714 = vector.extract_strided_slice %get3A_419 {offsets = [15], sizes = [1], strides = [1]} : vector<16xi32> to vector<1xi32>
          %squeeze3A_715 = vector.extract %slice3A_714[0] : i32 from vector<1xi32>
          %mul3A_716 = arith.constant 32 : i32
          %mul3A_717 = arith.muli %squeeze3A_715, %mul3A_716 : i32
          %multiple_of3A_718 = tpu.assume_multiple %mul3A_717, 16 : i32
          %get3A_719 = arith.index_cast %multiple_of3A_718 : i32 to index
          %get3A_720 = tpu.vector_load %arg5[%get3A_719] {strides = array<i32>} : memref<32800xi32, #tpu.memory_space<vmem>>, vector<16xi32>,
          %bitcast3A_721 = vector.bitcast %get3A_720 : vector<16xi32> to vector<32xbf16>
          %add3A_722 = arith.constant 16 : i32
          %add3A_723 = arith.addi %multiple_of3A_718, %add3A_722 : i32
          %multiple_of3A_724 = tpu.assume_multiple %add3A_723, 16 : i32
          %get3A_725 = arith.index_cast %multiple_of3A_724 : i32 to index
          %get3A_726 = tpu.vector_load %arg5[%get3A_725] {strides = array<i32>} : memref<32800xi32, #tpu.memory_space<vmem>>, vector<16xi32>,
          %bitcast3A_727 = vector.bitcast %get3A_726 : vector<16xi32> to vector<32xbf16>
          %add3A_728 = arith.addf %bitcast3A_679, %bitcast3A_693 : vector<32xbf16>
          %add3A_729 = arith.addf %bitcast3A_707, %bitcast3A_721 : vector<32xbf16>
          %add3A_730 = arith.addf %add3A_728, %add3A_729 : vector<32xbf16>
          %bitcast3A_731 = vector.bitcast %add3A_730 : vector<32xbf16> to vector<16xi32>
          %add3A_732 = arith.addf %bitcast3A_685, %bitcast3A_699 : vector<32xbf16>
          %add3A_733 = arith.addf %bitcast3A_713, %bitcast3A_727 : vector<32xbf16>
          %add3A_734 = arith.addf %add3A_732, %add3A_733 : vector<32xbf16>
          %bitcast3A_735 = vector.bitcast %add3A_734 : vector<32xbf16> to vector<16xi32>
          %shift_left3A_736 = arith.constant 16 : i32
          %shift_left3A_737 = vector.broadcast %shift_left3A_736 : i32 to vector<16xi32>
          %shift_left3A_738 = arith.shli %bitcast3A_731, %shift_left3A_737 : vector<16xi32>
          %bitcast_convert_type3A_739 = tpu.bitcast %shift_left3A_738 : vector<16xi32> -> vector<16xf32>
          %add3A_740 = arith.addf %add3A_572, %bitcast_convert_type3A_739 : vector<16xf32>
          %and3A_741 = arith.constant -65536 : i32
          %and3A_742 = vector.broadcast %and3A_741 : i32 to vector<16xi32>
          %and3A_743 = arith.andi %bitcast3A_731, %and3A_742 : vector<16xi32>
          %bitcast_convert_type3A_744 = tpu.bitcast %and3A_743 : vector<16xi32> -> vector<16xf32>
          %add3A_745 = arith.addf %add3A_577, %bitcast_convert_type3A_744 : vector<16xf32>
          %shift_left3A_746 = arith.constant 16 : i32
          %shift_left3A_747 = vector.broadcast %shift_left3A_746 : i32 to vector<16xi32>
          %shift_left3A_748 = arith.shli %bitcast3A_735, %shift_left3A_747 : vector<16xi32>
          %bitcast_convert_type3A_749 = tpu.bitcast %shift_left3A_748 : vector<16xi32> -> vector<16xf32>
          %add3A_750 = arith.addf %add3A_582, %bitcast_convert_type3A_749 : vector<16xf32>
          %and3A_751 = arith.constant -65536 : i32
          %and3A_752 = vector.broadcast %and3A_751 : i32 to vector<16xi32>
          %and3A_753 = arith.andi %bitcast3A_735, %and3A_752 : vector<16xi32>
          %bitcast_convert_type3A_754 = tpu.bitcast %and3A_753 : vector<16xi32> -> vector<16xf32>
          %add3A_755 = arith.addf %add3A_587, %bitcast_convert_type3A_754 : vector<16xf32>
          scf.yield %add3A_656, %add3A_661, %add3A_666, %add3A_671, %add3A_740, %add3A_745, %add3A_750, %add3A_755 : vector<16xf32>, vector<16xf32>, vector<16xf32>, vector<16xf32>, vector<16xf32>, vector<16xf32>, vector<16xf32>, vector<16xf32>
        }
        %scan3A_191 = arith.constant 12 : i32
        %get3A = arith.constant 0 : i32
        %get3A_192 = arith.constant 0 : i32
        %get3A_193 = tpu.memref_slice %arg6[%scan3A_150, %get3A, %get3A_192] : memref<2x64x208xi32, #tpu.memory_space<vmem>> -> memref<1x64x208xi32, #tpu.memory_space<vmem>>
        %get3A_194 = tpu.memref_squeeze %get3A_193 : memref<1x64x208xi32, #tpu.memory_space<vmem>> -> memref<64x208xi32, #tpu.memory_space<vmem>>
        %get3A_195 = arith.index_cast %scan3A_183 : i32 to index
        %get3A_196 = arith.constant 192 : index
        %get3A_197 = tpu.vector_load %get3A_194[%get3A_195, %get3A_196] {strides = array<i32>} : memref<64x208xi32, #tpu.memory_space<vmem>>, vector<16xi32>,
        %slice3A = vector.extract_strided_slice %get3A_197 {offsets = [0], sizes = [1], strides = [1]} : vector<16xi32> to vector<1xi32>
        %squeeze3A = vector.extract %slice3A[0] : i32 from vector<1xi32>
        %mul3A_198 = arith.constant 32 : i32
        %mul3A_199 = arith.muli %squeeze3A, %mul3A_198 : i32
        %multiple_of3A = tpu.assume_multiple %mul3A_199, 16 : i32
        %get3A_200 = arith.index_cast %multiple_of3A : i32 to index
        %get3A_201 = tpu.vector_load %arg5[%get3A_200] {strides = array<i32>} : memref<32800xi32, #tpu.memory_space<vmem>>, vector<16xi32>,
        %bitcast3A = vector.bitcast %get3A_201 : vector<16xi32> to vector<32xbf16>
        %add3A_202 = arith.constant 16 : i32
        %add3A_203 = arith.addi %multiple_of3A, %add3A_202 : i32
        %multiple_of3A_204 = tpu.assume_multiple %add3A_203, 16 : i32
        %get3A_205 = arith.index_cast %multiple_of3A_204 : i32 to index
        %get3A_206 = tpu.vector_load %arg5[%get3A_205] {strides = array<i32>} : memref<32800xi32, #tpu.memory_space<vmem>>, vector<16xi32>,
        %bitcast3A_207 = vector.bitcast %get3A_206 : vector<16xi32> to vector<32xbf16>
        %slice3A_208 = vector.extract_strided_slice %get3A_197 {offsets = [1], sizes = [1], strides = [1]} : vector<16xi32> to vector<1xi32>
        %squeeze3A_209 = vector.extract %slice3A_208[0] : i32 from vector<1xi32>
        %mul3A_210 = arith.constant 32 : i32
        %mul3A_211 = arith.muli %squeeze3A_209, %mul3A_210 : i32
        %multiple_of3A_212 = tpu.assume_multiple %mul3A_211, 16 : i32
        %get3A_213 = arith.index_cast %multiple_of3A_212 : i32 to index
        %get3A_214 = tpu.vector_load %arg5[%get3A_213] {strides = array<i32>} : memref<32800xi32, #tpu.memory_space<vmem>>, vector<16xi32>,
        %bitcast3A_215 = vector.bitcast %get3A_214 : vector<16xi32> to vector<32xbf16>
        %add3A_216 = arith.constant 16 : i32
        %add3A_217 = arith.addi %multiple_of3A_212, %add3A_216 : i32
        %multiple_of3A_218 = tpu.assume_multiple %add3A_217, 16 : i32
        %get3A_219 = arith.index_cast %multiple_of3A_218 : i32 to index
        %get3A_220 = tpu.vector_load %arg5[%get3A_219] {strides = array<i32>} : memref<32800xi32, #tpu.memory_space<vmem>>, vector<16xi32>,
        %bitcast3A_221 = vector.bitcast %get3A_220 : vector<16xi32> to vector<32xbf16>
        %slice3A_222 = vector.extract_strided_slice %get3A_197 {offsets = [2], sizes = [1], strides = [1]} : vector<16xi32> to vector<1xi32>
        %squeeze3A_223 = vector.extract %slice3A_222[0] : i32 from vector<1xi32>
        %mul3A_224 = arith.constant 32 : i32
        %mul3A_225 = arith.muli %squeeze3A_223, %mul3A_224 : i32
        %multiple_of3A_226 = tpu.assume_multiple %mul3A_225, 16 : i32
        %get3A_227 = arith.index_cast %multiple_of3A_226 : i32 to index
        %get3A_228 = tpu.vector_load %arg5[%get3A_227] {strides = array<i32>} : memref<32800xi32, #tpu.memory_space<vmem>>, vector<16xi32>,
        %bitcast3A_229 = vector.bitcast %get3A_228 : vector<16xi32> to vector<32xbf16>
        %add3A_230 = arith.constant 16 : i32
        %add3A_231 = arith.addi %multiple_of3A_226, %add3A_230 : i32
        %multiple_of3A_232 = tpu.assume_multiple %add3A_231, 16 : i32
        %get3A_233 = arith.index_cast %multiple_of3A_232 : i32 to index
        %get3A_234 = tpu.vector_load %arg5[%get3A_233] {strides = array<i32>} : memref<32800xi32, #tpu.memory_space<vmem>>, vector<16xi32>,
        %bitcast3A_235 = vector.bitcast %get3A_234 : vector<16xi32> to vector<32xbf16>
        %slice3A_236 = vector.extract_strided_slice %get3A_197 {offsets = [3], sizes = [1], strides = [1]} : vector<16xi32> to vector<1xi32>
        %squeeze3A_237 = vector.extract %slice3A_236[0] : i32 from vector<1xi32>
        %mul3A_238 = arith.constant 32 : i32
        %mul3A_239 = arith.muli %squeeze3A_237, %mul3A_238 : i32
        %multiple_of3A_240 = tpu.assume_multiple %mul3A_239, 16 : i32
        %get3A_241 = arith.index_cast %multiple_of3A_240 : i32 to index
        %get3A_242 = tpu.vector_load %arg5[%get3A_241] {strides = array<i32>} : memref<32800xi32, #tpu.memory_space<vmem>>, vector<16xi32>,
        %bitcast3A_243 = vector.bitcast %get3A_242 : vector<16xi32> to vector<32xbf16>
        %add3A_244 = arith.constant 16 : i32
        %add3A_245 = arith.addi %multiple_of3A_240, %add3A_244 : i32
        %multiple_of3A_246 = tpu.assume_multiple %add3A_245, 16 : i32
        %get3A_247 = arith.index_cast %multiple_of3A_246 : i32 to index
        %get3A_248 = tpu.vector_load %arg5[%get3A_247] {strides = array<i32>} : memref<32800xi32, #tpu.memory_space<vmem>>, vector<16xi32>,
        %bitcast3A_249 = vector.bitcast %get3A_248 : vector<16xi32> to vector<32xbf16>
        %add3A_250 = arith.addf %bitcast3A, %bitcast3A_215 : vector<32xbf16>
        %add3A_251 = arith.addf %bitcast3A_229, %bitcast3A_243 : vector<32xbf16>
        %add3A_252 = arith.addf %add3A_250, %add3A_251 : vector<32xbf16>
        %bitcast3A_253 = vector.bitcast %add3A_252 : vector<32xbf16> to vector<16xi32>
        %add3A_254 = arith.addf %bitcast3A_207, %bitcast3A_221 : vector<32xbf16>
        %add3A_255 = arith.addf %bitcast3A_235, %bitcast3A_249 : vector<32xbf16>
        %add3A_256 = arith.addf %add3A_254, %add3A_255 : vector<32xbf16>
        %bitcast3A_257 = vector.bitcast %add3A_256 : vector<32xbf16> to vector<16xi32>
        %shift_left3A = arith.constant 16 : i32
        %shift_left3A_258 = vector.broadcast %shift_left3A : i32 to vector<16xi32>
        %shift_left3A_259 = arith.shli %bitcast3A_253, %shift_left3A_258 : vector<16xi32>
        %bitcast_convert_type3A = tpu.bitcast %shift_left3A_259 : vector<16xi32> -> vector<16xf32>
        %add3A_260 = arith.addf %scan3A_190#0, %bitcast_convert_type3A : vector<16xf32>
        %and3A = arith.constant -65536 : i32
        %and3A_261 = vector.broadcast %and3A : i32 to vector<16xi32>
        %and3A_262 = arith.andi %bitcast3A_253, %and3A_261 : vector<16xi32>
        %bitcast_convert_type3A_263 = tpu.bitcast %and3A_262 : vector<16xi32> -> vector<16xf32>
        %add3A_264 = arith.addf %scan3A_190#1, %bitcast_convert_type3A_263 : vector<16xf32>
        %shift_left3A_265 = arith.constant 16 : i32
        %shift_left3A_266 = vector.broadcast %shift_left3A_265 : i32 to vector<16xi32>
        %shift_left3A_267 = arith.shli %bitcast3A_257, %shift_left3A_266 : vector<16xi32>
        %bitcast_convert_type3A_268 = tpu.bitcast %shift_left3A_267 : vector<16xi32> -> vector<16xf32>
        %add3A_269 = arith.addf %scan3A_190#2, %bitcast_convert_type3A_268 : vector<16xf32>
        %and3A_270 = arith.constant -65536 : i32
        %and3A_271 = vector.broadcast %and3A_270 : i32 to vector<16xi32>
        %and3A_272 = arith.andi %bitcast3A_257, %and3A_271 : vector<16xi32>
        %bitcast_convert_type3A_273 = tpu.bitcast %and3A_272 : vector<16xi32> -> vector<16xf32>
        %add3A_274 = arith.addf %scan3A_190#3, %bitcast_convert_type3A_273 : vector<16xf32>
        %slice3A_275 = vector.extract_strided_slice %get3A_197 {offsets = [4], sizes = [1], strides = [1]} : vector<16xi32> to vector<1xi32>
        %squeeze3A_276 = vector.extract %slice3A_275[0] : i32 from vector<1xi32>
        %mul3A_277 = arith.constant 32 : i32
        %mul3A_278 = arith.muli %squeeze3A_276, %mul3A_277 : i32
        %multiple_of3A_279 = tpu.assume_multiple %mul3A_278, 16 : i32
        %get3A_280 = arith.index_cast %multiple_of3A_279 : i32 to index
        %get3A_281 = tpu.vector_load %arg5[%get3A_280] {strides = array<i32>} : memref<32800xi32, #tpu.memory_space<vmem>>, vector<16xi32>,
        %bitcast3A_282 = vector.bitcast %get3A_281 : vector<16xi32> to vector<32xbf16>
        %add3A_283 = arith.constant 16 : i32
        %add3A_284 = arith.addi %multiple_of3A_279, %add3A_283 : i32
        %multiple_of3A_285 = tpu.assume_multiple %add3A_284, 16 : i32
        %get3A_286 = arith.index_cast %multiple_of3A_285 : i32 to index
        %get3A_287 = tpu.vector_load %arg5[%get3A_286] {strides = array<i32>} : memref<32800xi32, #tpu.memory_space<vmem>>, vector<16xi32>,
        %bitcast3A_288 = vector.bitcast %get3A_287 : vector<16xi32> to vector<32xbf16>
        %slice3A_289 = vector.extract_strided_slice %get3A_197 {offsets = [5], sizes = [1], strides = [1]} : vector<16xi32> to vector<1xi32>
        %squeeze3A_290 = vector.extract %slice3A_289[0] : i32 from vector<1xi32>
        %mul3A_291 = arith.constant 32 : i32
        %mul3A_292 = arith.muli %squeeze3A_290, %mul3A_291 : i32
        %multiple_of3A_293 = tpu.assume_multiple %mul3A_292, 16 : i32
        %get3A_294 = arith.index_cast %multiple_of3A_293 : i32 to index
        %get3A_295 = tpu.vector_load %arg5[%get3A_294] {strides = array<i32>} : memref<32800xi32, #tpu.memory_space<vmem>>, vector<16xi32>,
        %bitcast3A_296 = vector.bitcast %get3A_295 : vector<16xi32> to vector<32xbf16>
        %add3A_297 = arith.constant 16 : i32
        %add3A_298 = arith.addi %multiple_of3A_293, %add3A_297 : i32
        %multiple_of3A_299 = tpu.assume_multiple %add3A_298, 16 : i32
        %get3A_300 = arith.index_cast %multiple_of3A_299 : i32 to index
        %get3A_301 = tpu.vector_load %arg5[%get3A_300] {strides = array<i32>} : memref<32800xi32, #tpu.memory_space<vmem>>, vector<16xi32>,
        %bitcast3A_302 = vector.bitcast %get3A_301 : vector<16xi32> to vector<32xbf16>
        %slice3A_303 = vector.extract_strided_slice %get3A_197 {offsets = [6], sizes = [1], strides = [1]} : vector<16xi32> to vector<1xi32>
        %squeeze3A_304 = vector.extract %slice3A_303[0] : i32 from vector<1xi32>
        %mul3A_305 = arith.constant 32 : i32
        %mul3A_306 = arith.muli %squeeze3A_304, %mul3A_305 : i32
        %multiple_of3A_307 = tpu.assume_multiple %mul3A_306, 16 : i32
        %get3A_308 = arith.index_cast %multiple_of3A_307 : i32 to index
        %get3A_309 = tpu.vector_load %arg5[%get3A_308] {strides = array<i32>} : memref<32800xi32, #tpu.memory_space<vmem>>, vector<16xi32>,
        %bitcast3A_310 = vector.bitcast %get3A_309 : vector<16xi32> to vector<32xbf16>
        %add3A_311 = arith.constant 16 : i32
        %add3A_312 = arith.addi %multiple_of3A_307, %add3A_311 : i32
        %multiple_of3A_313 = tpu.assume_multiple %add3A_312, 16 : i32
        %get3A_314 = arith.index_cast %multiple_of3A_313 : i32 to index
        %get3A_315 = tpu.vector_load %arg5[%get3A_314] {strides = array<i32>} : memref<32800xi32, #tpu.memory_space<vmem>>, vector<16xi32>,
        %bitcast3A_316 = vector.bitcast %get3A_315 : vector<16xi32> to vector<32xbf16>
        %slice3A_317 = vector.extract_strided_slice %get3A_197 {offsets = [7], sizes = [1], strides = [1]} : vector<16xi32> to vector<1xi32>
        %squeeze3A_318 = vector.extract %slice3A_317[0] : i32 from vector<1xi32>
        %mul3A_319 = arith.constant 32 : i32
        %mul3A_320 = arith.muli %squeeze3A_318, %mul3A_319 : i32
        %multiple_of3A_321 = tpu.assume_multiple %mul3A_320, 16 : i32
        %get3A_322 = arith.index_cast %multiple_of3A_321 : i32 to index
        %get3A_323 = tpu.vector_load %arg5[%get3A_322] {strides = array<i32>} : memref<32800xi32, #tpu.memory_space<vmem>>, vector<16xi32>,
        %bitcast3A_324 = vector.bitcast %get3A_323 : vector<16xi32> to vector<32xbf16>
        %add3A_325 = arith.constant 16 : i32
        %add3A_326 = arith.addi %multiple_of3A_321, %add3A_325 : i32
        %multiple_of3A_327 = tpu.assume_multiple %add3A_326, 16 : i32
        %get3A_328 = arith.index_cast %multiple_of3A_327 : i32 to index
        %get3A_329 = tpu.vector_load %arg5[%get3A_328] {strides = array<i32>} : memref<32800xi32, #tpu.memory_space<vmem>>, vector<16xi32>,
        %bitcast3A_330 = vector.bitcast %get3A_329 : vector<16xi32> to vector<32xbf16>
        %add3A_331 = arith.addf %bitcast3A_282, %bitcast3A_296 : vector<32xbf16>
        %add3A_332 = arith.addf %bitcast3A_310, %bitcast3A_324 : vector<32xbf16>
        %add3A_333 = arith.addf %add3A_331, %add3A_332 : vector<32xbf16>
        %bitcast3A_334 = vector.bitcast %add3A_333 : vector<32xbf16> to vector<16xi32>
        %add3A_335 = arith.addf %bitcast3A_288, %bitcast3A_302 : vector<32xbf16>
        %add3A_336 = arith.addf %bitcast3A_316, %bitcast3A_330 : vector<32xbf16>
        %add3A_337 = arith.addf %add3A_335, %add3A_336 : vector<32xbf16>
        %bitcast3A_338 = vector.bitcast %add3A_337 : vector<32xbf16> to vector<16xi32>
        %shift_left3A_339 = arith.constant 16 : i32
        %shift_left3A_340 = vector.broadcast %shift_left3A_339 : i32 to vector<16xi32>
        %shift_left3A_341 = arith.shli %bitcast3A_334, %shift_left3A_340 : vector<16xi32>
        %bitcast_convert_type3A_342 = tpu.bitcast %shift_left3A_341 : vector<16xi32> -> vector<16xf32>
        %add3A_343 = arith.addf %scan3A_190#4, %bitcast_convert_type3A_342 : vector<16xf32>
        %and3A_344 = arith.constant -65536 : i32
        %and3A_345 = vector.broadcast %and3A_344 : i32 to vector<16xi32>
        %and3A_346 = arith.andi %bitcast3A_334, %and3A_345 : vector<16xi32>
        %bitcast_convert_type3A_347 = tpu.bitcast %and3A_346 : vector<16xi32> -> vector<16xf32>
        %add3A_348 = arith.addf %scan3A_190#5, %bitcast_convert_type3A_347 : vector<16xf32>
        %shift_left3A_349 = arith.constant 16 : i32
        %shift_left3A_350 = vector.broadcast %shift_left3A_349 : i32 to vector<16xi32>
        %shift_left3A_351 = arith.shli %bitcast3A_338, %shift_left3A_350 : vector<16xi32>
        %bitcast_convert_type3A_352 = tpu.bitcast %shift_left3A_351 : vector<16xi32> -> vector<16xf32>
        %add3A_353 = arith.addf %scan3A_190#6, %bitcast_convert_type3A_352 : vector<16xf32>
        %and3A_354 = arith.constant -65536 : i32
        %and3A_355 = vector.broadcast %and3A_354 : i32 to vector<16xi32>
        %and3A_356 = arith.andi %bitcast3A_338, %and3A_355 : vector<16xi32>
        %bitcast_convert_type3A_357 = tpu.bitcast %and3A_356 : vector<16xi32> -> vector<16xf32>
        %add3A_358 = arith.addf %scan3A_190#7, %bitcast_convert_type3A_357 : vector<16xf32>
        %add3A_359 = arith.addf %add3A_260, %add3A_343 : vector<16xf32>
        %add3A_360 = arith.addf %add3A_264, %add3A_348 : vector<16xf32>
        %add3A_361 = arith.addf %add3A_269, %add3A_353 : vector<16xf32>
        %add3A_362 = arith.addf %add3A_274, %add3A_358 : vector<16xf32>
        %broadcast_in_dim3A_363 = vector.broadcast %scan3A_183 : i32 to vector<16xi32>
        %mul3A_364 = arith.constant 5.000000e-03 : f32
        %mul3A_365 = vector.broadcast %mul3A_364 : f32 to vector<16xf32>
        %mul3A_366 = arith.mulf %add3A_359, %mul3A_365 : vector<16xf32>
        %scatter3A = arith.constant 0 : i32
        %scatter3A_367 = arith.constant 0 : i32
        %scatter3A_368 = tpu.memref_slice %arg7[%scan3A_151, %scatter3A, %scatter3A_367] : memref<2x64x64xf32, #tpu.memory_space<vmem>> -> memref<1x64x64xf32, #tpu.memory_space<vmem>>
        %scatter3A_369 = tpu.memref_squeeze %scatter3A_368 : memref<1x64x64xf32, #tpu.memory_space<vmem>> -> memref<64x64xf32, #tpu.memory_space<vmem>>
        tpu.vector_store_idx %scatter3A_369[%broadcast_in_dim3A_363, %mul3A_5], %mul3A_366 : memref<64x64xf32, #tpu.memory_space<vmem>>[vector<16xi32>, vector<16xi32>], vector<16xf32>,
        %add3A_370 = arith.constant 1 : i32
        %add3A_371 = vector.broadcast %add3A_370 : i32 to vector<16xi32>
        %add3A_372 = arith.addi %mul3A_5, %add3A_371 : vector<16xi32>
        %mul3A_373 = arith.constant 5.000000e-03 : f32
        %mul3A_374 = vector.broadcast %mul3A_373 : f32 to vector<16xf32>
        %mul3A_375 = arith.mulf %add3A_360, %mul3A_374 : vector<16xf32>
        %scatter3A_376 = arith.constant 0 : i32
        %scatter3A_377 = arith.constant 0 : i32
        %scatter3A_378 = tpu.memref_slice %arg7[%scan3A_151, %scatter3A_376, %scatter3A_377] : memref<2x64x64xf32, #tpu.memory_space<vmem>> -> memref<1x64x64xf32, #tpu.memory_space<vmem>>
        %scatter3A_379 = tpu.memref_squeeze %scatter3A_378 : memref<1x64x64xf32, #tpu.memory_space<vmem>> -> memref<64x64xf32, #tpu.memory_space<vmem>>
        tpu.vector_store_idx %scatter3A_379[%broadcast_in_dim3A_363, %add3A_372], %mul3A_375 : memref<64x64xf32, #tpu.memory_space<vmem>>[vector<16xi32>, vector<16xi32>], vector<16xf32>,
        %add3A_380 = arith.constant 32 : i32
        %add3A_381 = vector.broadcast %add3A_380 : i32 to vector<16xi32>
        %add3A_382 = arith.addi %mul3A_5, %add3A_381 : vector<16xi32>
        %mul3A_383 = arith.constant 5.000000e-03 : f32
        %mul3A_384 = vector.broadcast %mul3A_383 : f32 to vector<16xf32>
        %mul3A_385 = arith.mulf %add3A_361, %mul3A_384 : vector<16xf32>
        %scatter3A_386 = arith.constant 0 : i32
        %scatter3A_387 = arith.constant 0 : i32
        %scatter3A_388 = tpu.memref_slice %arg7[%scan3A_151, %scatter3A_386, %scatter3A_387] : memref<2x64x64xf32, #tpu.memory_space<vmem>> -> memref<1x64x64xf32, #tpu.memory_space<vmem>>
        %scatter3A_389 = tpu.memref_squeeze %scatter3A_388 : memref<1x64x64xf32, #tpu.memory_space<vmem>> -> memref<64x64xf32, #tpu.memory_space<vmem>>
        tpu.vector_store_idx %scatter3A_389[%broadcast_in_dim3A_363, %add3A_382], %mul3A_385 : memref<64x64xf32, #tpu.memory_space<vmem>>[vector<16xi32>, vector<16xi32>], vector<16xf32>,
        %add3A_390 = arith.constant 33 : i32
        %add3A_391 = vector.broadcast %add3A_390 : i32 to vector<16xi32>
        %add3A_392 = arith.addi %mul3A_5, %add3A_391 : vector<16xi32>
        %mul3A_393 = arith.constant 5.000000e-03 : f32
        %mul3A_394 = vector.broadcast %mul3A_393 : f32 to vector<16xf32>
        %mul3A_395 = arith.mulf %add3A_362, %mul3A_394 : vector<16xf32>
        %scatter3A_396 = arith.constant 0 : i32
        %scatter3A_397 = arith.constant 0 : i32
        %scatter3A_398 = tpu.memref_slice %arg7[%scan3A_151, %scatter3A_396, %scatter3A_397] : memref<2x64x64xf32, #tpu.memory_space<vmem>> -> memref<1x64x64xf32, #tpu.memory_space<vmem>>
        %scatter3A_399 = tpu.memref_squeeze %scatter3A_398 : memref<1x64x64xf32, #tpu.memory_space<vmem>> -> memref<64x64xf32, #tpu.memory_space<vmem>>
        tpu.vector_store_idx %scatter3A_399[%broadcast_in_dim3A_363, %add3A_392], %mul3A_395 : memref<64x64xf32, #tpu.memory_space<vmem>>[vector<16xi32>, vector<16xi32>], vector<16xf32>,
        %scan3A_400 = arith.constant 0 : i32
        scf.yield %scan3A_400 : i32
      }
      %scan3A_158 = arith.constant 64 : i32
      %mul3A_159 = arith.constant 64 : i32
      %mul3A_160 = arith.muli %add3A_128, %mul3A_159 : i32
      %add3A_161 = arith.addi %mul3A_2, %mul3A_160 : i32
      %dma_start3A_162 = arith.constant 1 : i32
      %dma_start3A_163 = arith.constant 0 : i32
      %dma_start3A_164 = arith.constant 0 : i32
      %dma_start3A_165 = tpu.memref_slice %arg7[%dma_start3A_162, %dma_start3A_163, %dma_start3A_164] : memref<2x64x64xf32, #tpu.memory_space<vmem>> -> memref<1x64x64xf32, #tpu.memory_space<vmem>>
      %dma_start3A_166 = tpu.memref_squeeze %dma_start3A_165 : memref<1x64x64xf32, #tpu.memory_space<vmem>> -> memref<64x64xf32, #tpu.memory_space<vmem>>
      %dma_start3A_167 = arith.constant 0 : i32
      %dma_start3A_168 = tpu.memref_slice %arg4[%add3A_161, %dma_start3A_167] : memref<16384x64xf32, #tpu.memory_space<hbm>> -> memref<64x64xf32, #tpu.memory_space<hbm>>
      %dma_start3A_169 = arith.constant 0 : i32
      %dma_start3A_170 = tpu.memref_slice %arg4[%add3A_161, %dma_start3A_169] : memref<16384x64xf32, #tpu.memory_space<hbm>> -> memref<64x64xf32, #tpu.memory_space<hbm>>
      %dma_start3A_171 = arith.constant 0 : i32
      %dma_start3A_172 = arith.constant 0 : i32
      %dma_start3A_173 = tpu.memref_slice %arg7[%dma_start3A_162, %dma_start3A_171, %dma_start3A_172] : memref<2x64x64xf32, #tpu.memory_space<vmem>> -> memref<1x64x64xf32, #tpu.memory_space<vmem>>
      %dma_start3A_174 = tpu.memref_squeeze %dma_start3A_173 : memref<1x64x64xf32, #tpu.memory_space<vmem>> -> memref<64x64xf32, #tpu.memory_space<vmem>>
      tpu.enqueue_dma source(%dma_start3A_174 : memref<64x64xf32, #tpu.memory_space<vmem>>) target(%dma_start3A_170 : memref<64x64xf32, #tpu.memory_space<hbm>>) target_semaphore(%arg11 : memref<!tpu.dma_semaphore, #tpu.memory_space<semaphore_mem>>)
      %add3A_175 = arith.constant 2 : i32
      %add3A_176 = arith.addi %add3A_128, %add3A_175 : i32
      %lt3A_177 = arith.constant 8 : i32
      %lt3A_178 = arith.cmpi slt, %add3A_176, %lt3A_177 : i32
      %convert_element_type3A_179 = arith.extui %lt3A_178 : i1 to i32
      %cond3A_180 = arith.constant 0 : i32
      %cond3A_181 = arith.cmpi ne, %convert_element_type3A_179, %cond3A_180 : i32
      scf.if %cond3A_181 {
        %add3A_183 = arith.constant 2 : i32
        %add3A_184 = arith.addi %add3A_128, %add3A_183 : i32
        %mul3A_185 = arith.constant 64 : i32
        %mul3A_186 = arith.muli %add3A_184, %mul3A_185 : i32
        %add3A_187 = arith.addi %mul3A_2, %mul3A_186 : i32
        %dma_start3A_188 = arith.constant 1 : i32
        %dma_start3A_189 = arith.constant 0 : i32
        %dma_start3A_190 = arith.constant 0 : i32
        %dma_start3A_191 = tpu.memref_slice %arg6[%dma_start3A_188, %dma_start3A_189, %dma_start3A_190] : memref<2x64x208xi32, #tpu.memory_space<vmem>> -> memref<1x64x200xi32, #tpu.memory_space<vmem>>
        %dma_start3A_192 = tpu.memref_squeeze %dma_start3A_191 : memref<1x64x200xi32, #tpu.memory_space<vmem>> -> memref<64x200xi32, #tpu.memory_space<vmem>>
        %dma_start3A_193 = arith.constant 0 : i32
        %dma_start3A_194 = tpu.memref_slice %arg3[%add3A_187, %dma_start3A_193] : memref<16384x200xi32, #tpu.memory_space<hbm>> -> memref<64x200xi32, #tpu.memory_space<hbm>>
        %dma_start3A_195 = arith.constant 0 : i32
        %dma_start3A_196 = arith.constant 0 : i32
        %dma_start3A_197 = tpu.memref_slice %arg6[%dma_start3A_188, %dma_start3A_195, %dma_start3A_196] : memref<2x64x208xi32, #tpu.memory_space<vmem>> -> memref<1x64x200xi32, #tpu.memory_space<vmem>>
        %dma_start3A_198 = tpu.memref_squeeze %dma_start3A_197 : memref<1x64x200xi32, #tpu.memory_space<vmem>> -> memref<64x200xi32, #tpu.memory_space<vmem>>
        %dma_start3A_199 = arith.constant 0 : i32
        %dma_start3A_200 = tpu.memref_slice %arg3[%add3A_187, %dma_start3A_199] : memref<16384x200xi32, #tpu.memory_space<hbm>> -> memref<64x200xi32, #tpu.memory_space<hbm>>
        tpu.enqueue_dma source(%dma_start3A_200 : memref<64x200xi32, #tpu.memory_space<hbm>>) target(%dma_start3A_198 : memref<64x200xi32, #tpu.memory_space<vmem>>) target_semaphore(%arg9 : memref<!tpu.dma_semaphore, #tpu.memory_space<semaphore_mem>>)
      } else {
      }
      %scan3A_182 = arith.constant 0 : i32
      scf.yield %scan3A_182 : i32
    }
    %scan3A_40 = arith.constant 4 : i32
    %add3A_41 = arith.constant 384 : i32
    %add3A_42 = arith.addi %mul3A_2, %add3A_41 : i32
    %dma_wait3A = arith.constant 0 : i32
    %dma_wait3A_43 = arith.constant 0 : i32
    %dma_wait3A_44 = arith.constant 0 : i32
    %dma_wait3A_45 = tpu.memref_slice %arg7[%dma_wait3A, %dma_wait3A_43, %dma_wait3A_44] : memref<2x64x64xf32, #tpu.memory_space<vmem>> -> memref<1x64x64xf32, #tpu.memory_space<vmem>>
    %dma_wait3A_46 = tpu.memref_squeeze %dma_wait3A_45 : memref<1x64x64xf32, #tpu.memory_space<vmem>> -> memref<64x64xf32, #tpu.memory_space<vmem>>
    %dma_wait3A_47 = arith.constant 0 : i32
    %dma_wait3A_48 = tpu.memref_slice %arg4[%add3A_42, %dma_wait3A_47] : memref<16384x64xf32, #tpu.memory_space<hbm>> -> memref<64x64xf32, #tpu.memory_space<hbm>>
    %dma_wait3A_49 = arith.constant 0 : i32
    %dma_wait3A_50 = tpu.memref_slice %arg4[%add3A_42, %dma_wait3A_49] : memref<16384x64xf32, #tpu.memory_space<hbm>> -> memref<64x64xf32, #tpu.memory_space<hbm>>
    %dma_wait3A_51 = arith.constant 0 : i32
    %dma_wait3A_52 = arith.constant 0 : i32
    %dma_wait3A_53 = tpu.memref_slice %arg7[%dma_wait3A, %dma_wait3A_51, %dma_wait3A_52] : memref<2x64x64xf32, #tpu.memory_space<vmem>> -> memref<1x64x64xf32, #tpu.memory_space<vmem>>
    %dma_wait3A_54 = tpu.memref_squeeze %dma_wait3A_53 : memref<1x64x64xf32, #tpu.memory_space<vmem>> -> memref<64x64xf32, #tpu.memory_space<vmem>>
    tpu.wait_dma2 semaphore(%arg10 : memref<!tpu.dma_semaphore, #tpu.memory_space<semaphore_mem>>) src(%dma_wait3A_54 : memref<64x64xf32, #tpu.memory_space<vmem>>) dst(%dma_wait3A_50 : memref<64x64xf32, #tpu.memory_space<hbm>>)
    %add3A_55 = arith.constant 448 : i32
    %add3A_56 = arith.addi %mul3A_2, %add3A_55 : i32
    %dma_wait3A_57 = arith.constant 1 : i32
    %dma_wait3A_58 = arith.constant 0 : i32
    %dma_wait3A_59 = arith.constant 0 : i32
    %dma_wait3A_60 = tpu.memref_slice %arg7[%dma_wait3A_57, %dma_wait3A_58, %dma_wait3A_59] : memref<2x64x64xf32, #tpu.memory_space<vmem>> -> memref<1x64x64xf32, #tpu.memory_space<vmem>>
    %dma_wait3A_61 = tpu.memref_squeeze %dma_wait3A_60 : memref<1x64x64xf32, #tpu.memory_space<vmem>> -> memref<64x64xf32, #tpu.memory_space<vmem>>
    %dma_wait3A_62 = arith.constant 0 : i32
    %dma_wait3A_63 = tpu.memref_slice %arg4[%add3A_56, %dma_wait3A_62] : memref<16384x64xf32, #tpu.memory_space<hbm>> -> memref<64x64xf32, #tpu.memory_space<hbm>>
    %dma_wait3A_64 = arith.constant 0 : i32
    %dma_wait3A_65 = tpu.memref_slice %arg4[%add3A_56, %dma_wait3A_64] : memref<16384x64xf32, #tpu.memory_space<hbm>> -> memref<64x64xf32, #tpu.memory_space<hbm>>
    %dma_wait3A_66 = arith.constant 0 : i32
    %dma_wait3A_67 = arith.constant 0 : i32
    %dma_wait3A_68 = tpu.memref_slice %arg7[%dma_wait3A_57, %dma_wait3A_66, %dma_wait3A_67] : memref<2x64x64xf32, #tpu.memory_space<vmem>> -> memref<1x64x64xf32, #tpu.memory_space<vmem>>
    %dma_wait3A_69 = tpu.memref_squeeze %dma_wait3A_68 : memref<1x64x64xf32, #tpu.memory_space<vmem>> -> memref<64x64xf32, #tpu.memory_space<vmem>>
    tpu.wait_dma2 semaphore(%arg11 : memref<!tpu.dma_semaphore, #tpu.memory_space<semaphore_mem>>) src(%dma_wait3A_69 : memref<64x64xf32, #tpu.memory_space<vmem>>) dst(%dma_wait3A_65 : memref<64x64xf32, #tpu.memory_space<hbm>>)
    return
  }
}

</mosaic_0001>

<sc_bundles>
// kernel: kernel.3.cloned.1.call-start
scs
__scs_entry_jumppad:
0x0: {  	(pc) =	sbr.rel $0x88, $3  }
0x1: {  	(tag) =	ssettag $0x0;
	lr =	simm.s32 $0x1  }
0x2: {  	[smem:$0x3F9F] =	sst lr;
	_ =	strace $0xD0000000  }
0x3: {  	_ = 	snop  }
0x4: {  	_ = 	snop  }
0x5: {  	_ = 	snop  }
0x6: {  	_ = 	snop  }
0x7: {  	_ = 	snop  }
__scs_overlays_trampoline_lowered:
0x8: {  	[smem:$0x3FAE] =	sst s0  }
0x9: {  	[smem:$0x3FAF] =	sst s1  }
0xa: {  	[smem:$0x3FB0] =	sst s2  }
0xb: {  	[smem:$0x3FB1] =	sst s3  }
0xc: {  	[smem:$0x3FB2] =	sst s4  }
0xd: {  	[smem:$0x3FB3] =	sst s5  }
0xe: {  	[smem:$0x3FB4] =	sst s6  }
0xf: {  	[smem:$0x3FB5] =	sst s7  }
0x10: {  	[smem:$0x3FB6] =	sst s8  }
0x11: {  	[smem:$0x3FB7] =	sst s9;
	s0 =	simm.s32 @!p0 $0x0  }
0x12: {  	s1 =	sld [smem:$0x3F9D];
	s0 =	simm.s32 @p0 $0x1  }
0x13: {  	[smem:$0x3FB8] =	sst s0;
	s0 =	simm.s32 @!p1 $0x0  }
0x14: {  	s2 =	sld [smem:$0x3F9C];
	s0 =	simm.s32 @p1 $0x1  }
0x15: {  	[smem:$0x3FB9] =	sst s0;
	s0 =	simm.s32 @!p2 $0x0  }
0x16: {  	s3 =	sld [smem:$0x3FDB];
	s0 =	simm.s32 @p2 $0x1  }
0x17: {  	s4 =	simm.s32 $0x1BF5;
	[smem:$0x3FBB] =	sst s0  }
0x18: {  	s0 =	sld [smem:$0x3F9E];
	_ =	swait.ge [sflag:s4], $0x0  }
0x19: {  	s7 =	sld [smem:$0x3F9F]  }
0x1a: {  	s8 =	sadd.s32 $0xFFFFE003, lr  }
0x1b: {  	s9 =	sadd.s32 $0xFFFFFEF7, lr;
	s5 =	simm.s32 $0xFFFFFFFF;
	p2 =	slt.u32 s8, $0xFFFFF086  }
0x1c: {  	p1 =	slt.u32 s9, $0xF7A;
	s5 =	simm.s32 @!p2 $0x0  }
0x1d: {  	s5 =	simm.s32 @p1 $0x1;
	p0 =	seq.s32 s7, s2  }
0x1e: {  	s7 =	smul.u32 @!p0 $0xF7A, s2;
	p2 =	seq.s32 @!p0 s5, $0x0  }
0x1f: {  	s9 =	smul.u32 $0xF7A, s1;
	s8 =	simm.s32 @!p0 $0x1BF5;
	p2 =	por !p2, p0  }
0x20: {  	[sflag:s8] =	ssyncset.s32 @!p0 $0xFFFFF086;
	s6 =	sadd.s32 @!p0 s3, s7;
	s7 =	simm.s32 @!p0 $0x108  }
0x21: {  	s3 =	sadd.s32 s3, s9;
	s6 =	sadd.s32 @!p0 $0x88, s6;
	s7 =	simm.s32 @p2 $0x1082  }
0x22: {  	[simem:s7], [sflag:s8] =	dma.local @!p0 [hbm:s6], $0xF7A  }
0x23: {  	s9 =	sor.u32 $0xD0000000, s2;
	s6 =	simm.s32 $0x108;
	_ =	swait.ge @!p0 [sflag:s8], $0x0  }
0x24: {  	s3 =	sadd.s32 $0x88, s3;
	s6 =	simm.s32 @!p1 $0x1082;
	[sflag:s4] =	ssyncset.s32 $0xFFFFF086  }
0x25: {  	[simem:s6], [sflag:s4] =	dma.local [hbm:s3], $0xF7A  }
0x26: {  	[smem:$0x3F9F] =	sst s1;
	(tag) =	ssettag s2;
	_ =	strace s9  }
0x27: {  	s1 =	sld [smem:$0x3FAF]  }
0x28: {  	s2 =	sld [smem:$0x3FB0]  }
0x29: {  	s4 =	sld [smem:$0x3FB2]  }
0x2a: {  	p0 =	seq.s32 s5, $0x0;
	s5 =	sld [smem:$0x3FB3]  }
0x2b: {  	s6 =	sld [smem:$0x3FB4]  }
0x2c: {  	s7 =	sld [smem:$0x3FB5]  }
0x2d: {  	s3 =	simm.s32 $0x108;
	s8 =	sld [smem:$0x3FB6]  }
0x2e: {  	s3 =	simm.s32 @!p0 $0x1082;
	s9 =	sld [smem:$0x3FB7]  }
0x2f: {  	lr =	sadd.s32 s0, s3;
	s0 =	sld [smem:$0x3FAE]  }
0x30: {  	s3 =	sld [smem:$0x3FB1]  }
0x31: {  	[smem:$0x3FBA] =	sst s10  }
0x32: {  	s10 =	sld [smem:$0x3FB8];
	_ =	sdelay $0x3  }
0x33: {  	p0 =	seq.s32 s10, $0x1;
	s10 =	sld [smem:$0x3FBA];
	_ =	sdelay $0x3  }
0x34: {  	[smem:$0x3FBA] =	sst s10  }
0x35: {  	s10 =	sld [smem:$0x3FB9];
	_ =	sdelay $0x3  }
0x36: {  	p1 =	seq.s32 s10, $0x1;
	s10 =	sld [smem:$0x3FBA];
	_ =	sdelay $0x3  }
0x37: {  	[smem:$0x3FBA] =	sst s10  }
0x38: {  	s10 =	sld [smem:$0x3FBB]  }
0x39: {  	_ = 	snop;
	(pc) =	sbr.ind lr, $3  }
0x3a: {  	_ = 	snop  }
0x3b: {  	_ = 	snop  }
0x3c: {  	p2 =	seq.s32 s10, $0x1;
	s10 =	sld [smem:$0x3FBA]  }
0x3d: {  	_ =	shalt  }
0x3e: {  	_ =	shalt  }
0x3f: {  	_ =	shalt  }
0x40: {  	_ =	shalt  }
0x41: {  	_ =	shalt  }
0x42: {  	_ =	shalt  }
0x43: {  	_ =	shalt  }
0x44: {  	_ =	shalt  }
0x45: {  	_ =	shalt  }
0x46: {  	_ =	shalt  }
0x47: {  	_ =	shalt  }
0x48: {  	_ =	shalt  }
0x49: {  	_ =	shalt  }
0x4a: {  	_ =	shalt  }
0x4b: {  	_ =	shalt  }
0x4c: {  	_ =	shalt  }
0x4d: {  	_ =	shalt  }
0x4e: {  	_ =	shalt  }
0x4f: {  	_ =	shalt  }
0x50: {  	_ =	shalt  }
0x51: {  	_ =	shalt  }
0x52: {  	_ =	shalt  }
0x53: {  	_ =	shalt  }
0x54: {  	_ =	shalt  }
0x55: {  	_ =	shalt  }
0x56: {  	_ =	shalt  }
0x57: {  	_ =	shalt  }
0x58: {  	_ =	shalt  }
0x59: {  	_ =	shalt  }
0x5a: {  	_ =	shalt  }
0x5b: {  	_ =	shalt  }
0x5c: {  	_ =	shalt  }
0x5d: {  	_ =	shalt  }
0x5e: {  	_ =	shalt  }
0x5f: {  	_ =	shalt  }
0x60: {  	_ =	shalt  }
0x61: {  	_ =	shalt  }
0x62: {  	_ =	shalt  }
0x63: {  	_ =	shalt  }
0x64: {  	_ =	shalt  }
0x65: {  	_ =	shalt  }
0x66: {  	_ =	shalt  }
0x67: {  	_ =	shalt  }
0x68: {  	_ =	shalt  }
0x69: {  	_ =	shalt  }
0x6a: {  	_ =	shalt  }
0x6b: {  	_ =	shalt  }
0x6c: {  	_ =	shalt  }
0x6d: {  	_ =	shalt  }
0x6e: {  	_ =	shalt  }
0x6f: {  	_ =	shalt  }
0x70: {  	_ =	shalt  }
0x71: {  	_ =	shalt  }
0x72: {  	_ =	shalt  }
0x73: {  	_ =	shalt  }
0x74: {  	_ =	shalt  }
0x75: {  	_ =	shalt  }
0x76: {  	_ =	shalt  }
0x77: {  	_ =	shalt  }
0x78: {  	_ =	shalt  }
0x79: {  	_ =	shalt  }
0x7a: {  	_ =	shalt  }
0x7b: {  	_ =	shalt  }
0x7c: {  	_ =	shalt  }
0x7d: {  	_ =	shalt  }
0x7e: {  	_ =	shalt  }
0x7f: {  	_ =	shalt  }
0x80: {  	_ =	shalt  }
0x81: {  	_ =	shalt  }
0x82: {  	_ =	shalt  }
0x83: {  	_ =	shalt  }
0x84: {  	_ =	shalt  }
0x85: {  	_ =	shalt  }
0x86: {  	_ =	shalt  }
0x87: {  	_ =	shalt  }
.Lfunc_end0:
.L_simem_size_0:
called_computation_lowered:
.L_overlay_start_0:
0x88: {  	s2 =	sld [smem:$0x3FD9]  }
0x89: {  	s3 =	sld [smem:$0x3FFE];
	_ =	sdelay $0x1  }
0x8a: {  	s1 =	srdreg.scid  }
0x8b: {  	s0 =	sand.u32 $0x1, s1  }
0x8c: {  	s17 =	sshll.u32 s0, $0xA;
	s2 =	sadd.s32 s3, s2  }
0x8d: {  	s2 =	sadd.s32 s2, s17  }
0x8e: {  	[smem:$0x3FC6] =	sst s2  }
0x8f: {  	_ = 	snop  }
0x90: {  	s2 =	sld [smem:$0x3FD0];
	(tm) =	ssettm $0x1  }
0x91: {  	s18 =	sld [smem:$0x3FFB];
	_ =	sdelay $0x3  }
0x92: {  	_ =	strace s18  }
0x93: {  	s3 =	sld [smem:$0x3FFC];
	_ =	sdelay $0x3  }
0x94: {  	_ =	strace s3  }
0x95: {  	s3 =	sld [smem:$0x3FFD];
	_ =	sdelay $0x3  }
0x96: {  	_ =	strace s3  }
0x97: {  	_ =	strace $0x8FFFFFFF  }
0x98: {  	s19 =	sld [smem:$0x3FDB];
	_ =	sdelay $0x1  }
0x99: {  	s4 =	simm.s32 $_scs_section_size  }
0x9a: {  	s5 =	simm.s32 $_size__tile_overlayer_lowered;
	s6 =	simm.s32 $_tile_overlayer_lowered  }
0x9b: {  	s22 =	simm.s32 $0x1BFF;
	s21 =	sshll.u32 s6, $0x1;
	s3 =	sadd.s32 s4, s19  }
0x9c: {  	s7 =	simm.s32 $0x0;
	s20 =	sshll.u32 s5, $0x1;
	s5 =	sadd.s32 s21, s3  }
0x9d: {  	[timem:s7], [sflag:s22] =	dma.local [hbm:s5], s20  }
0x9e: {  	_ =	swait.ge [sflag:s22], s20  }
0x9f: {  	s4 =	ssub.s32 $0x0, s20;
	[sflag:s22] =	ssyncset.done $0x0  }
0xa0: {  	[sflag:s22] =	ssyncadd.s32 s4;
	_ =	sdelay $0x1  }
0xa1: {  	s23 =	simm.s32 $0x1B8B  }
0xa2: {  	_ =	swait.ge [sflag:s23], $0x1  }
0xa3: {  	[sflag:s23] =	ssyncset.done $0x0  }
0xa4: {  	s25 =	simm.s32 $0x1B8E;
	s24 =	sld [smem:$0x3FFE];
	[sflag:s23] =	ssyncadd.s32 $0xFFFFFFFF  }
0xa5: {  	s26 =	simm.s32 $execute0_lowered;
	[smem:$0x3FD2] =	sst s25  }
0xa6: {  	s5 =	sshll.u32 s26, $0x1;
	_ =	strace $0x80000046;
	[dreg:$0x1] =	wrdreg $0xFFFFFFFF  }
0xa7: {  	s28 =	simm.s32 $_size_execute0_lowered;
	s3 =	sadd.s32 s3, s5;
	[dreg:$0x0] =	wrdreg $0x0  }
0xa8: {  	s5 =	sshll.u32 s28, $0x1;
	[dreg:$0x2] =	wrdreg s3  }
0xa9: {  	[dreg:$0x3] =	wrdreg s5  }
0xaa: {  	[dreg:$0x4] =	wrdreg $0xC0  }
0xab: {  	_ =	task [dreg:s7], $0x5FFFF  }
0xac: {  	[dreg:$0x1] =	wrdreg $0xFFFFFFFF  }
0xad: {  	[dreg:$0x0] =	wrdreg $0x60  }
0xae: {  	[dreg:$0x2] =	wrdreg s24  }
0xaf: {  	[dreg:$0x3] =	wrdreg s2  }
0xb0: {  	[dreg:$0x4] =	wrdreg $0x9  }
0xb1: {  	_ =	task.clear_ibuf [dreg:s7], $0x5FFFF;
	_ =	strace $0x90000046  }
0xb2: {  	s29 =	simm.s32 $0x9;
	_ =	strace $0x80000048  }
0xb3: {  	_ =	swait.ge [sflag:s29], $0x1  }
0xb4: {  	[sflag:s29] =	ssyncadd.s32 $0xFFFFFFFF  }
0xb5: {  	_ =	strace $0x90000048  }
0xb6: {  	_ =	sfence  }
0xb7: {  	s30 =	sld [smem:$0x0];
	_ =	sdelay $0x2  }
0xb8: {  	s31 =	sshll.u32 s1, $0xD;
	s1 =	sshrl.u32 s1, $0x2  }
0xb9: {  	s3 =	sand.u32 $0x4000, s31;
	s1 =	sadd.s32 s1, s30  }
0xba: {  	s0 =	sor.u32 s3, s0;
	s1 =	sshll.u32 s1, $0x11  }
0xbb: {  	s0 =	sor.u32 s1, s0  }
0xbc: {  	s0 =	sadd.s32 $0x8F2B, s0  }
0xbd: {  	[sflag:s0] =	ssyncadd.remote.s32 $0x1  }
0xbe: {  	_ =	sfence.sel $0xFFFF  }
0xbf: {  	[dreg:$0x0] =	wrdreg $0xFFFFFFFF;
	(pc) =	sbr.abs _section_cstart, $3  }
0xc0: {  	[dreg:$0x1] =	wrdreg $0xFFFFFFFF  }
0xc1: {  	_ =	task.clear_ibuf [dreg:s7], $0x2FFFF;
	_ =	strace $0x9FFFFFFF  }
0xc2: {  	(tm) =	ssettm $0x7FFFFFFF  }
0xc3: {  	_ =	shalt  }
tec
execute0_lowered:
.L_overlay_start_1:
0x0: {  	(tag) =	ssettag $0x1  }
0x1: {  	s0 =	srdreg.scid;
	s1 =	rddreg [dreg:$0x0]  }
0x2: {  	s3 =	stileid.u32;
	s2 =	rddreg [dreg:$0x1];
	s14 =	simm.s32 $0x1  }
0x3: {  	s15 =	simm.s32 $0xE820;
	s16 =	simm.s32 $0x2;
	s0 =	sand.u32 $0x1, s0  }
0x4: {  	s4 =	sshll.u32 s3, $0xA;
	s3 =	simm.s32 $0x0;
	s5 =	sshll.u32 s0, $0x9  }
0x5: {  	s17 =	simm.s32 $0xF820;
	[smem:$0x7FF] =	sst s3;
	s4 =	sor.u32 s5, s4  }
0x6: {  	s0 =	ssub.s32 $0x2, s0;
	_ =	strace $0x80000047;
	s6 =	smul.u32 $0xC8, s4  }
0x7: {  	s5 =	sadd.s32 $0x200, s1;
	s1 =	sadd.s32 $0x64200, s1;
	s8 =	smul.u32 $0x19, s4  }
.Ltmp0:
0x8: {  	s7 =	sshrl.u32 s0, $0x1;
	[dreg:$0x3] =	wrdreg s1;
	(pc) =	sbr.rel .LBB2_1-.Ltmp0, $4  }
0x9: {  	v0 =	vlaneseq.u32;
	s0 =	ssub.s32 s0, s7;
	s31 =	sshll.u32 s4, $0x3;
	s10 =	sor.u32 $0x80, s4  }
0xa: {  	v0 =	vmul.u32 $0x2, v0;
	s11 =	sor.u32 $0xC0, s4;
	s9 =	sadd.s32 s2, s31;
	s6 =	sshrl.u32 s6, $0x3  }
0xb: {  	s0 =	smax.u32 s0, $0x1;
	s7 =	sadd.s32 s5, s8;
	s30 =	sadd.s32 s5, s6  }
0xc: {  	v1 =	vor.u32 $0x1, v0;
	v2 =	vor.u32 $0x20, v0;
	v3 =	vor.u32 $0x21, v0;
	[dreg:$0x4] =	wrdreg s0;
	s6 =	simm.s32 $0x0;
	s8 =	sadd.s32 $0x640, s30  }
.LBB2_22:
0xd: {  	s0 =	simm.s32 $0x3  }
0xe: {  	_ =	swait.ge [sflag:s0], $0x1000  }
0xf: {  	[sflag:s0] =	ssyncset.done $0x0  }
0x10: {  	s1 =	simm.s32 $0x4;
	[sflag:s0] =	ssyncadd.s32 $0xFFFFF000  }
0x11: {  	_ =	swait.ge [sflag:s1], $0x1000  }
0x12: {  	s6 =	rddreg [dreg:$0x5]  }
0x13: {  	s31 =	rddreg [dreg:$0x4];
	s6 =	sadd.s32 $0x1, s6  }
0x14: {  	p0 =	sne.s32 s6, s31  }
.Ltmp1:
0x15: {  	_ = 	snop;
	(pc) =	sbr.rel @!p0 .LBB2_23-.Ltmp1, $3  }
0x16: {  	_ =	sdelay $0x1  }
0x17: {  	[sflag:s1] =	ssyncset.done $0x0  }
0x18: {  	[sflag:s1] =	ssyncadd.s32 $0xFFFFF000  }
.LBB2_1:
0x19: {  	[dreg:$0x5] =	wrdreg s6  }
0x1a: {  	s0 =	rddreg [dreg:$0x3];
	s31 =	simm.s32 $0x5  }
0x1b: {  	[tilespmem:s3], [sflag:$0x5] =	stream.linear.gather [hbm4b:s0+s3], $0x8020, $0x38;
	[tilespmem:$0x10820] =	vst v63  }
0x1c: {  	_ =	swait.ge [sflag:s31], $0x8020  }
0x1d: {  	s1 =	simm.s32 $0x19;
	s12 =	sadd.s32 $0x0, s7;
	[sflag:s31] =	ssyncset.done $0x0  }
0x1e: {  	s6 =	simm.s32 $0x80F0;
	s0 =	simm.s32 $0x8020;
	[sflag:s31] =	ssyncadd.s32 $0xFFFF7FE0  }
.LBB2_2:
0x1f: {  	[tilespmem:s0], [sflag:$0x1] =	stream.linear.gather [hbm4b:s12+s3], $0xC8, $0x38;
	[tilespmem:$0x10820] =	vst v63  }
0x20: {  	s12 =	smov.u32 s1;
	s0 =	smov.u32 s6;
	p0 =	sne.s32 s1, $0x627  }
.Ltmp2:
0x21: {  	s1 =	sadd.s32 $0x19, s1;
	(pc) =	sbr.rel @p0 .LBB2_2-.Ltmp2, $2  }
0x22: {  	_ =	sdelay $0x2  }
0x23: {  	s6 =	sadd.s32 $0xD0, s6;
	s12 =	sadd.s32 s12, s7  }
0x24: {  	[tilespmem:s0], [sflag:$0x1] =	stream.linear.gather [hbm4b:s12+s3], $0xC8, $0x38;
	[tilespmem:$0x10820] =	vst v63  }
0x25: {  	s21 =	simm.s32 $0x0;
	s0 =	simm.s32 $0xB420  }
0x26: {  	s1 =	simm.s32 $0x19;
	s12 =	sadd.s32 $0x0, s8;
	s6 =	simm.s32 $0xB4F0  }
.LBB2_4:
0x27: {  	[tilespmem:s0], [sflag:$0x2] =	stream.linear.gather [hbm4b:s12+s21], $0xC8, $0x38;
	[tilespmem:$0x10820] =	vst v63  }
0x28: {  	s12 =	smov.u32 s1;
	s0 =	smov.u32 s6;
	p0 =	sne.s32 s1, $0x627  }
.Ltmp3:
0x29: {  	s1 =	sadd.s32 $0x19, s1;
	(pc) =	sbr.rel @p0 .LBB2_4-.Ltmp3, $2  }
0x2a: {  	_ =	sdelay $0x2  }
0x2b: {  	s6 =	sadd.s32 $0xD0, s6;
	s12 =	sadd.s32 s12, s8  }
0x2c: {  	[tilespmem:s0], [sflag:$0x2] =	stream.linear.gather [hbm4b:s12+s21], $0xC8, $0x38;
	[tilespmem:$0x10820] =	vst v63  }
.LBB2_6:
0x2d: {  	_ =	swait.ge [sflag:s14], $0x3200  }
0x2e: {  	p0 =	seq.s32 s21, $0x0;
	[sflag:s14] =	ssyncset.done $0x0  }
0x2f: {  	s0 =	simm.s32 @!p0 $0x3;
	[sflag:s14] =	ssyncadd.s32 $0xFFFFCE00  }
0x30: {  	_ =	swait.ge @!p0 [sflag:s0], $0x1000  }
0x31: {  	s22 =	sshll.u32 s21, $0x7;
	[sflag:s0] =	ssyncset.done @!p0 $0x0  }
0x32: {  	s23 =	simm.s32 $0x0;
	s24 =	simm.s32 $0x8020;
	[sflag:s0] =	ssyncadd.s32 @!p0 $0xFFFFF000  }
.LBB2_7:
0x33: {  	v4 =	vmov s24;
	_ =	sdelay $0x3  }
0x34: {  	s0 =	simm.s32 $0x0  }
0x35: {  	v5 =	vld.idx.msk [tilespmem:v4+s0+$0x0 ss:$0x1], $0xffff;
	_ =	sdelay $0x4  }
0x36: {  	v5 =	vshll.u32 v5, $0x7  }
0x37: {  	v5 =	vshra.s32 v5, $0x2  }
0x38: {  	(v2sf) =	vpush v5, $0x9  }
0x39: {  	(v2sf) =	vpush v5, $0x8;
	_ =	sdelay $0x1  }
0x3a: {  	(v2sf) =	vpush v5, $0x7  }
0x3b: {  	(v2sf) =	vpush v5, $0xE;
	_ =	sdelay $0x1  }
0x3c: {  	(v2sf) =	vpush v5, $0x4  }
0x3d: {  	(v2sf) =	vpush v5, $0x5  }
0x3e: {  	(v2sf) =	vpush v5, $0x6;
	_ =	sdelay $0x2  }
0x3f: {  	(v2sf) =	vpush v5, $0xF  }
0x40: {  	(v2sf) =	vpush v5, $0x3  }
0x41: {  	(v2sf) =	vpush v5, $0xD  }
0x42: {  	s28 =	simm.s32 $0x10;
	(v2sf) =	vpush v5, $0xC  }
0x43: {  	v6 =	vld.idx.msk [tilespmem:v4+s28+$0x0 ss:$0x1], $0xffff;
	(v2sf) =	vpush v5, $0x2;
	s1 =	spop (v2sf)  }
0x44: {  	(v2sf) =	vpush v5, $0x0;
	s29 =	spop (v2sf);
	v25 =	vld [tilespmem:s1+$0x0]  }
0x45: {  	(v2sf) =	vpush v5, $0xA;
	v8 =	vld [tilespmem:s29+$0x10]  }
0x46: {  	s6 =	spop (v2sf);
	v9 =	vld [tilespmem:s29+$0x0]  }
0x47: {  	s30 =	spop (v2sf);
	v12 =	vld [tilespmem:s6+$0x10]  }
0x48: {  	v10 =	vld [tilespmem:s30+$0x0]  }
0x49: {  	s12 =	spop (v2sf);
	v11 =	vld [tilespmem:s30+$0x10]  }
0x4a: {  	(v2sf) =	vpush v5, $0x1;
	s25 =	spop (v2sf);
	v7 =	vld [tilespmem:s12+$0x10]  }
0x4b: {  	v26 =	vld [tilespmem:s12+$0x0];
	s31 =	spop (v2sf);
	(v2sf) =	vpush v5, $0xB  }
0x4c: {  	v5 =	vld [tilespmem:s6+$0x0]  }
0x4d: {  	v6 =	vshll.u32 v6, $0x7;
	v19 =	vld [tilespmem:s31+$0x0]  }
0x4e: {  	v16 =	vshra.s32 v6, $0x2;
	s18 =	spop (v2sf);
	v6 =	vld [tilespmem:s31+$0x10]  }
0x4f: {  	v14 =	vld [tilespmem:s18+$0x10];
	s13 =	spop (v2sf)  }
0x50: {  	v15 =	vld [tilespmem:s18+$0x0];
	s19 =	spop (v2sf)  }
0x51: {  	v17 =	vld [tilespmem:s13+$0x0];
	s18 =	spop (v2sf)  }
0x52: {  	v30 =	vld [tilespmem:s13+$0x10];
	s26 =	spop (v2sf)  }
0x53: {  	v18 =	vld [tilespmem:s19+$0x10];
	s28 =	spop (v2sf)  }
0x54: {  	v28 =	vld [tilespmem:s18+$0x0];
	s29 =	spop (v2sf);
	(v2sf) =	vpush v16, $0x9  }
0x55: {  	v13 =	vld [tilespmem:s26+$0x10];
	v22 =	vadd.bf16 v5, v19;
	(v2sf) =	vpush v16, $0x8  }
0x56: {  	v19 =	vadd.bf16 v25, v9;
	v9 =	vld [tilespmem:s25+$0x0];
	(v2sf) =	vpush v16, $0x7  }
0x57: {  	v20 =	vadd.bf16 v15, v10;
	v10 =	vld [tilespmem:s1+$0x10];
	(v2sf) =	vpush v16, $0xE  }
0x58: {  	v15 =	vadd.bf16 v12, v6;
	v6 =	vld [tilespmem:s18+$0x10];
	(v2sf) =	vpush v16, $0x4  }
0x59: {  	v11 =	vadd.bf16 v14, v11;
	v14 =	vld [tilespmem:s28+$0x10];
	s30 =	spop (v2sf);
	(v2sf) =	vpush v16, $0x5  }
0x5a: {  	v21 =	vld [tilespmem:s29+$0x10];
	(v2sf) =	vpush v16, $0x6;
	s20 =	spop (v2sf)  }
0x5b: {  	v32 =	vadd.bf16 v9, v26;
	(v2sf) =	vpush v16, $0xF;
	v5 =	vld [tilespmem:s20+$0x10]  }
0x5c: {  	v24 =	vld [tilespmem:s30+$0x10];
	v8 =	vadd.bf16 v10, v8;
	(v2sf) =	vpush v16, $0x3  }
0x5d: {  	v25 =	vld [tilespmem:s19+$0x0];
	v9 =	vimm.f32 $0.0e+00;
	v6 =	vadd.bf16 v18, v6;
	(v2sf) =	vpush v16, $0xD  }
0x5e: {  	v27 =	vld [tilespmem:s26+$0x0];
	v18 =	vimm.f32 $0.0e+00;
	v10 =	vimm.f32 $0.0e+00;
	(v2sf) =	vpush v16, $0xC  }
0x5f: {  	v31 =	vld [tilespmem:s28+$0x0];
	v12 =	vadd.bf16 v11, v6;
	v11 =	vimm.f32 $0.0e+00;
	(v2sf) =	vpush v16, $0x2  }
0x60: {  	s31 =	smul.u32 $0x340, s23;
	v23 =	vld [tilespmem:s30+$0x0];
	v6 =	vimm.f32 $0.0e+00;
	(v2sf) =	vpush v16, $0x0;
	v5 =	vadd.bf16 v5, v21  }
0x61: {  	v26 =	vld [tilespmem:s29+$0x0];
	v24 =	vadd.bf16 v24, v14;
	v14 =	vimm.f32 $0.0e+00;
	(v2sf) =	vpush v16, $0xA  }
0x62: {  	s0 =	simm.s32 $0x80;
	s26 =	sshra.s32 s31, $0x2;
	v29 =	vld [tilespmem:s20+$0x0];
	v21 =	vadd.bf16 v5, v8;
	v8 =	vimm.f32 $0.0e+00;
	v5 =	vimm.f32 $0.0e+00  }
.LBB2_8:
0x63: {  	s1 =	sshra.s32 s0, $0x2  }
0x64: {  	(v2sf) =	vpush v16, $0x1;
	s29 =	spop (v2sf);
	v33 =	vld [tilespmem:s25+$0x10];
	v25 =	vadd.bf16 v25, v28;
	s6 =	smov.u32 s0;
	s28 =	sadd.s32 $0x40, s0  }
0x65: {  	p1 =	sne.s32 s0, $0x2C0;
	v17 =	vadd.bf16 v17, v27;
	v28 =	vld.idx.msk [tilespmem:v4+s1+$0x0 ss:$0x1], $0xffff;
	s0 =	spop (v2sf);
	v23 =	vadd.bf16 v23, v31  }
0x66: {  	v22 =	vadd.bf16 v22, v32;
	v31 =	vld [tilespmem:s0+$0x10];
	s1 =	spop (v2sf);
	v20 =	vadd.bf16 v20, v25  }
0x67: {  	v13 =	vadd.bf16 v30, v13;
	v27 =	vld [tilespmem:s0+$0x0];
	s0 =	spop (v2sf);
	v17 =	vadd.bf16 v17, v23  }
0x68: {  	v25 =	vshll.u32 v22, $0x10;
	v23 =	vld [tilespmem:s0+$0x0];
	s31 =	spop (v2sf);
	v26 =	vadd.bf16 v29, v26;
	v29 =	vand.u32 $0xFFFF0000, v20  }
0x69: {  	v22 =	vand.u32 $0xFFFF0000, v22;
	v13 =	vadd.bf16 v13, v24;
	v30 =	vld [tilespmem:s0+$0x10];
	s25 =	spop (v2sf);
	v24 =	vand.u32 $0xFFFF0000, v17  }
0x6a: {  	v32 =	vld [tilespmem:s1+$0x10];
	s18 =	spop (v2sf);
	(v2sf) =	vpush v16, $0xB;
	v16 =	vadd.f32 v22, v18;
	v18 =	vshll.u32 v21, $0x10  }
0x6b: {  	v7 =	vadd.bf16 v33, v7;
	v34 =	vshll.u32 v13, $0x10;
	v13 =	vand.u32 $0xFFFF0000, v13;
	v22 =	vld [tilespmem:s1+$0x0];
	s0 =	spop (v2sf)  }
0x6c: {  	v17 =	vshll.u32 v17, $0x10;
	v19 =	vadd.bf16 v26, v19;
	v11 =	vadd.f32 v34, v11;
	v33 =	vld [tilespmem:s0+$0x10];
	s30 =	spop (v2sf)  }
0x6d: {  	v14 =	vadd.f32 v25, v14;
	v10 =	vadd.f32 v13, v10;
	v26 =	vld [tilespmem:s0+$0x0];
	s13 =	spop (v2sf)  }
0x6e: {  	v7 =	vadd.bf16 v15, v7;
	v13 =	vand.u32 $0xFFFF0000, v21;
	v11 =	vadd.f32 v18, v11;
	v34 =	vld [tilespmem:s13+$0x10];
	s6 =	spop (v2sf)  }
0x6f: {  	v21 =	vshll.u32 v19, $0x10;
	v10 =	vadd.f32 v13, v10;
	v18 =	vshll.u32 v20, $0x10;
	v15 =	vld [tilespmem:s18+$0x0];
	s1 =	spop (v2sf)  }
0x70: {  	v9 =	vadd.f32 v17, v9;
	v20 =	vshll.u32 v7, $0x10;
	v25 =	vand.u32 $0xFFFF0000, v7;
	v13 =	vld [tilespmem:s1+$0x10];
	s12 =	spop (v2sf)  }
0x71: {  	v19 =	vand.u32 $0xFFFF0000, v19;
	v14 =	vadd.f32 v18, v14;
	v7 =	vld [tilespmem:s31+$0x10];
	v33 =	vadd.bf16 v33, v30;
	s0 =	spop (v2sf)  }
0x72: {  	v8 =	vadd.f32 v20, v8;
	v18 =	vadd.f32 v29, v16;
	v29 =	vand.u32 $0xFFFF0000, v12;
	v17 =	vld [tilespmem:s30+$0x0]  }
0x73: {  	v9 =	vadd.f32 v21, v9;
	v12 =	vshll.u32 v12, $0x10;
	v20 =	vadd.bf16 v26, v23;
	v30 =	vld [tilespmem:s0+$0x10];
	s19 =	spop (v2sf)  }
0x74: {  	v6 =	vadd.f32 v24, v6;
	v16 =	vshll.u32 v28, $0x7;
	v8 =	vadd.f32 v12, v8;
	v21 =	vld [tilespmem:s18+$0x10]  }
0x75: {  	v5 =	vadd.f32 v25, v5;
	v16 =	vshra.s32 v16, $0x2;
	v22 =	vadd.bf16 v22, v15;
	v12 =	vld [tilespmem:s19+$0x10]  }
0x76: {  	v6 =	vadd.f32 v19, v6;
	(v2sf) =	vpush v16, $0x9;
	v35 =	vld [tilespmem:s31+$0x0]  }
0x77: {  	v5 =	vadd.f32 v29, v5;
	(v2sf) =	vpush v16, $0x8;
	v23 =	vld [tilespmem:s19+$0x0]  }
0x78: {  	(v2sf) =	vpush v16, $0x7;
	v19 =	vld [tilespmem:s29+$0x0]  }
0x79: {  	(v2sf) =	vpush v16, $0xE;
	v26 =	vld [tilespmem:s29+$0x10];
	s18 =	spop (v2sf)  }
0x7a: {  	v15 =	vadd.bf16 v32, v21;
	(v2sf) =	vpush v16, $0x4;
	v24 =	vld [tilespmem:s12+$0x10]  }
0x7b: {  	(v2sf) =	vpush v16, $0x5;
	v25 =	vld [tilespmem:s13+$0x0]  }
0x7c: {  	(v2sf) =	vpush v16, $0x6;
	v21 =	vld [tilespmem:s18+$0x10]  }
0x7d: {  	(v2sf) =	vpush v16, $0xF;
	v19 =	vadd.bf16 v19, v27;
	v29 =	vld [tilespmem:s6+$0x10]  }
0x7e: {  	(v2sf) =	vpush v16, $0x3;
	v28 =	vld [tilespmem:s6+$0x0]  }
0x7f: {  	(v2sf) =	vpush v16, $0xD;
	v24 =	vadd.bf16 v12, v24;
	v12 =	vld [tilespmem:s25+$0x0]  }
.Ltmp4:
0x80: {  	v32 =	vadd.bf16 v26, v31;
	(v2sf) =	vpush v16, $0xC;
	v27 =	vld [tilespmem:s1+$0x0];
	(pc) =	sbr.rel @p1 .LBB2_8-.Ltmp4, $4  }
0x81: {  	(v2sf) =	vpush v16, $0x2;
	v31 =	vld [tilespmem:s12+$0x0];
	v21 =	vadd.bf16 v21, v30  }
0x82: {  	(v2sf) =	vpush v16, $0x0;
	v30 =	vld [tilespmem:s30+$0x10];
	v34 =	vadd.bf16 v34, v29  }
0x83: {  	(v2sf) =	vpush v16, $0xA;
	v26 =	vld [tilespmem:s0+$0x0];
	v21 =	vadd.bf16 v21, v32  }
0x84: {  	s0 =	smov.u32 s28;
	v32 =	vadd.bf16 v12, v35;
	v29 =	vld [tilespmem:s18+$0x0];
	v12 =	vadd.bf16 v33, v34  }
0x85: {  	v4 =	vld [tilespmem:s25+$0x10]  }
0x86: {  	s0 =	spop (v2sf);
	v48 =	vld [tilespmem:s26+$0x80E0]  }
0x87: {  	v40 =	vld [tilespmem:s0+$0x0]  }
0x88: {  	s1 =	spop (v2sf);
	v41 =	vld [tilespmem:s0+$0x10]  }
0x89: {  	v33 =	vld [tilespmem:s1+$0x10]  }
0x8a: {  	s6 =	spop (v2sf);
	v34 =	vld [tilespmem:s1+$0x0]  }
0x8b: {  	v37 =	vld [tilespmem:s6+$0x10]  }
0x8c: {  	v25 =	vadd.bf16 v25, v28;
	v17 =	vadd.bf16 v17, v27;
	s30 =	spop (v2sf);
	v38 =	vld [tilespmem:s6+$0x0]  }
0x8d: {  	(v2sf) =	vpush v16, $0x1;
	v23 =	vadd.bf16 v23, v31;
	v35 =	vld [tilespmem:s30+$0x0]  }
0x8e: {  	v22 =	vadd.bf16 v22, v32;
	v13 =	vadd.bf16 v30, v13;
	s19 =	spop (v2sf);
	v36 =	vld [tilespmem:s30+$0x10]  }
0x8f: {  	v20 =	vadd.bf16 v20, v25;
	v26 =	vadd.bf16 v29, v26;
	s25 =	spop (v2sf);
	v29 =	vld [tilespmem:s19+$0x10]  }
0x90: {  	v17 =	vadd.bf16 v17, v23;
	v49 =	vshll.u32 v22, $0x10;
	v13 =	vadd.bf16 v13, v24;
	v61 =	vld [tilespmem:s19+$0x0];
	s29 =	spop (v2sf)  }
0x91: {  	v22 =	vand.u32 $0xFFFF0000, v22;
	v55 =	vadd.f32 v49, v14;
	(v2sf) =	vpush v16, $0xB;
	v49 =	vld [tilespmem:s25+$0x0];
	s31 =	spop (v2sf)  }
0x92: {  	v18 =	vadd.f32 v22, v18;
	v51 =	vand.u32 $0xFFFF0000, v20;
	v20 =	vshll.u32 v20, $0x10;
	v27 =	vld [tilespmem:s29+$0x0];
	s28 =	spop (v2sf)  }
0x93: {  	v4 =	vadd.bf16 v4, v7;
	v50 =	vshll.u32 v13, $0x10;
	v13 =	vand.u32 $0xFFFF0000, v13;
	v56 =	vld [tilespmem:s29+$0x10];
	s18 =	spop (v2sf)  }
0x94: {  	v10 =	vadd.f32 v13, v10;
	v13 =	vadd.f32 v20, v55;
	v55 =	vld [tilespmem:s25+$0x10];
	s1 =	spop (v2sf)  }
0x95: {  	v57 =	vshll.u32 v48, $0x7;
	v58 =	vshll.u32 v17, $0x10;
	v19 =	vadd.bf16 v26, v19;
	v39 =	vld [tilespmem:s31+$0x10];
	s20 =	spop (v2sf)  }
0x96: {  	v23 =	vshra.s32 v57, $0x2;
	v9 =	vadd.f32 v58, v9;
	v52 =	vadd.f32 v50, v11;
	v47 =	vld [tilespmem:s31+$0x0];
	s13 =	spop (v2sf)  }
0x97: {  	v53 =	vshll.u32 v21, $0x10;
	v18 =	vadd.f32 v51, v18;
	v11 =	vld [tilespmem:s28+$0x0];
	s12 =	spop (v2sf);
	(v2sf) =	vpush v23, $0x0  }
0x98: {  	v17 =	vand.u32 $0xFFFF0000, v17;
	v4 =	vadd.bf16 v15, v4;
	v7 =	vadd.f32 v53, v52;
	v52 =	vld [tilespmem:s28+$0x10]  }
0x99: {  	v6 =	vadd.f32 v17, v6;
	v28 =	vld [tilespmem:s18+$0x10];
	(v2sf) =	vpush v23, $0x1  }
0x9a: {  	v32 =	vadd.bf16 v40, v34;
	v63 =	vshll.u32 v4, $0x10;
	v4 =	vand.u32 $0xFFFF0000, v4;
	v44 =	vld [tilespmem:s18+$0x0]  }
0x9b: {  	v60 =	vand.u32 $0xFFFF0000, v21;
	v4 =	vadd.f32 v4, v5;
	v5 =	vld [tilespmem:s1+$0x10];
	(v2sf) =	vpush v23, $0x2  }
0x9c: {  	v20 =	vadd.bf16 v41, v33;
	v42 =	vshll.u32 v19, $0x10;
	v10 =	vadd.f32 v60, v10;
	v48 =	vld [tilespmem:s1+$0x0]  }
0x9d: {  	v19 =	vand.u32 $0xFFFF0000, v19;
	v8 =	vadd.f32 v63, v8;
	v25 =	vld [tilespmem:s20+$0x10];
	(v2sf) =	vpush v23, $0x3  }
0x9e: {  	v45 =	vshll.u32 v12, $0x10;
	v9 =	vadd.f32 v42, v9;
	v6 =	vadd.f32 v19, v6;
	v50 =	vld [tilespmem:s20+$0x0]  }
0x9f: {  	v8 =	vadd.f32 v45, v8;
	v43 =	vld [tilespmem:s13+$0x10];
	s30 =	spop (v2sf);
	(v2sf) =	vpush v23, $0x4  }
0xa0: {  	v27 =	vadd.bf16 v38, v27;
	v14 =	vadd.bf16 v37, v56;
	v54 =	vld [tilespmem:s12+$0x10];
	s31 =	spop (v2sf)  }
0xa1: {  	v22 =	vadd.bf16 v55, v29;
	(v2sf) =	vpush v23, $0x5;
	v46 =	vld [tilespmem:s31+$0x10]  }
0xa2: {  	v39 =	vadd.bf16 v39, v36;
	v16 =	vadd.bf16 v47, v35;
	v51 =	vld [tilespmem:s13+$0x0]  }
0xa3: {  	v47 =	vand.u32 $0xFFFF0000, v12;
	v12 =	vadd.bf16 v49, v61;
	v59 =	vld [tilespmem:s30+$0x10];
	(v2sf) =	vpush v23, $0x6  }
0xa4: {  	v4 =	vadd.f32 v47, v4;
	v53 =	vld [tilespmem:s12+$0x0];
	(v2sf) =	vpush v23, $0x7  }
0xa5: {  	v14 =	vadd.bf16 v14, v22;
	v12 =	vadd.bf16 v27, v12;
	v62 =	vld [tilespmem:s30+$0x0]  }
0xa6: {  	v5 =	vadd.bf16 v28, v5;
	v17 =	vadd.bf16 v46, v54;
	v54 =	vld [tilespmem:s31+$0x0];
	s18 =	spop (v2sf)  }
0xa7: {  	v56 =	vadd.bf16 v44, v48;
	v11 =	vadd.bf16 v11, v50;
	v57 =	vld [tilespmem:s18+$0x0]  }
0xa8: {  	v42 =	vshll.u32 v14, $0x10;
	v5 =	vadd.bf16 v39, v5;
	v15 =	vadd.bf16 v59, v43;
	v59 =	vld [tilespmem:s18+$0x10];
	s19 =	spop (v2sf)  }
0xa9: {  	v14 =	vand.u32 $0xFFFF0000, v14;
	v58 =	vadd.bf16 v52, v25;
	v8 =	vadd.f32 v42, v8;
	v60 =	vld [tilespmem:s19+$0x0]  }
0xaa: {  	v4 =	vadd.f32 v14, v4;
	v16 =	vadd.bf16 v16, v56;
	v47 =	vshll.u32 v5, $0x10;
	v61 =	vld [tilespmem:s19+$0x10];
	s20 =	spop (v2sf)  }
0xab: {  	v21 =	vadd.bf16 v62, v51;
	v62 =	vshll.u32 v12, $0x10;
	v12 =	vand.u32 $0xFFFF0000, v12;
	v63 =	vld [tilespmem:s20+$0x0]  }
0xac: {  	v33 =	vand.u32 $0xFFFF0000, v16;
	v8 =	vadd.f32 v47, v8;
	v12 =	vadd.f32 v12, v18;
	v35 =	vld [tilespmem:s20+$0x10];
	s25 =	spop (v2sf)  }
0xad: {  	v5 =	vand.u32 $0xFFFF0000, v5;
	v13 =	vadd.f32 v62, v13;
	v15 =	vadd.bf16 v58, v15;
	v36 =	vld [tilespmem:s25+$0x0]  }
0xae: {  	v16 =	vshll.u32 v16, $0x10;
	v4 =	vadd.f32 v5, v4;
	v11 =	vadd.bf16 v11, v21;
	v38 =	vld [tilespmem:s25+$0x10];
	s26 =	spop (v2sf)  }
0xaf: {  	v13 =	vadd.f32 v16, v13;
	v12 =	vadd.f32 v33, v12;
	v34 =	vshll.u32 v15, $0x10;
	v39 =	vld [tilespmem:s26+$0x0]  }
0xb0: {  	v15 =	vand.u32 $0xFFFF0000, v15;
	v40 =	vshll.u32 v11, $0x10;
	v17 =	vadd.bf16 v17, v20;
	v41 =	vld [tilespmem:s26+$0x10];
	s28 =	spop (v2sf)  }
0xb1: {  	v11 =	vand.u32 $0xFFFF0000, v11;
	v7 =	vadd.f32 v34, v7;
	v10 =	vadd.f32 v15, v10;
	v43 =	vld [tilespmem:s28+$0x0]  }
0xb2: {  	v9 =	vadd.f32 v40, v9;
	v37 =	vshll.u32 v17, $0x10;
	v20 =	vadd.bf16 v54, v53;
	v45 =	vld [tilespmem:s28+$0x10];
	s29 =	spop (v2sf)  }
0xb3: {  	v6 =	vadd.f32 v11, v6;
	v17 =	vand.u32 $0xFFFF0000, v17;
	v7 =	vadd.f32 v37, v7;
	v46 =	vld [tilespmem:s29+$0x0];
	s30 =	spop (v2sf)  }
0xb4: {  	v10 =	vadd.f32 v17, v10;
	v20 =	vadd.bf16 v20, v32;
	v49 =	vld [tilespmem:s30+$0x0]  }
0xb5: {  	v23 =	vadd.bf16 v60, v57;
	v48 =	vld [tilespmem:s29+$0x10];
	v18 =	vadd.bf16 v36, v63  }
0xb6: {  	v19 =	vadd.bf16 v61, v59;
	v44 =	vshll.u32 v20, $0x10;
	v51 =	vld [tilespmem:s30+$0x10];
	v15 =	vadd.bf16 v38, v35  }
0xb7: {  	v20 =	vand.u32 $0xFFFF0000, v20;
	v9 =	vadd.f32 v44, v9;
	v50 =	vadd.bf16 v18, v23  }
0xb8: {  	v6 =	vadd.f32 v20, v6;
	v15 =	vadd.bf16 v15, v19  }
0xb9: {  	s31 =	sshll.u32 s23, $0x6;
	v52 =	vadd.bf16 v43, v39;
	v5 =	vshll.u32 v50, $0x10;
	v11 =	vadd.bf16 v49, v46  }
0xba: {  	v59 =	vor.u32 s31, v0;
	v16 =	vadd.bf16 v45, v41;
	v5 =	vadd.f32 v5, v9  }
0xbb: {  	v61 =	vor.u32 s31, v1;
	v53 =	vadd.bf16 v51, v48;
	v9 =	vadd.bf16 v11, v52  }
0xbc: {  	v14 =	vand.u32 $0xFFFF0000, v50;
	v54 =	vshll.u32 v15, $0x10;
	v55 =	vand.u32 $0xFFFF0000, v15  }
0xbd: {  	v6 =	vadd.f32 v14, v6;
	v56 =	vadd.bf16 v53, v16;
	v57 =	vshll.u32 v9, $0x10  }
0xbe: {  	v7 =	vadd.f32 v54, v7;
	v9 =	vand.u32 $0xFFFF0000, v9;
	v11 =	vadd.f32 v57, v13  }
0xbf: {  	v10 =	vadd.f32 v55, v10;
	v58 =	vshll.u32 v56, $0x10;
	v9 =	vadd.f32 v9, v12  }
0xc0: {  	v60 =	vand.u32 $0xFFFF0000, v56;
	v8 =	vadd.f32 v58, v8;
	v5 =	vadd.f32 v11, v5  }
0xc1: {  	s23 =	sadd.s32 $0x1, s23;
	v62 =	vor.u32 s31, v2;
	v4 =	vadd.f32 v60, v4;
	v6 =	vadd.f32 v9, v6  }
0xc2: {  	p1 =	sne.s32 s23, $0x40;
	v63 =	vor.u32 s31, v3;
	v7 =	vadd.f32 v8, v7;
	v5 =	vmul.f32 $4.999999890e-03, v5  }
.Ltmp5:
0xc3: {  	v4 =	vadd.f32 v4, v10;
	v6 =	vmul.f32 $4.999999890e-03, v6;
	(pc) =	sbr.rel @p1 .LBB2_7-.Ltmp5, $4  }
0xc4: {  	[tilespmem:v59+s15+$0x0] =	vst.idx.msk $0xffff, v5;
	v5 =	vmul.f32 $4.999999890e-03, v7  }
0xc5: {  	v4 =	vmul.f32 $4.999999890e-03, v4;
	[tilespmem:v61+s15+$0x0] =	vst.idx.msk $0xffff, v6  }
0xc6: {  	[tilespmem:v62+s15+$0x0] =	vst.idx.msk $0xffff, v5  }
0xc7: {  	s24 =	sadd.s32 $0xD0, s24;
	[tilespmem:v63+s15+$0x0] =	vst.idx.msk $0xffff, v4  }
0xc8: {  	p1 =	seq.s32 s21, $0x3  }
.Ltmp6:
0xc9: {  	_ = 	snop;
	(pc) =	sbr.rel @p1 .LBB2_14-.Ltmp6, $4  }
0xca: {  	_ = 	snop  }
0xcb: {  	s0 =	sshll.u32 s21, $0xA  }
0xcc: {  	s0 =	sadd.s32 s0, s9  }
0xcd: {  	[hbm4b:s0+s3] =	stream.linear.scatter [tilespmem:s15], [sflag:$0x3], $0x1000, $0x38;
	[tilespmem:$0x10820] =	vst v63  }
0xce: {  	s0 =	sadd.s32 s22, s10  }
0xcf: {  	s0 =	smul.u32 $0x19, s0;
	_ =	sdelay $0x1  }
0xd0: {  	s1 =	simm.s32 $0x8020;
	s0 =	sadd.s32 s5, s0  }
0xd1: {  	s6 =	simm.s32 $0x19;
	s12 =	simm.s32 $0x80F0;
	s13 =	sadd.s32 $0x0, s0  }
.LBB2_12:
0xd2: {  	[tilespmem:s1], [sflag:$0x1] =	stream.linear.gather [hbm4b:s13+s3], $0xC8, $0x38;
	[tilespmem:$0x10820] =	vst v63  }
0xd3: {  	s13 =	smov.u32 s6;
	s1 =	smov.u32 s12;
	p2 =	sne.s32 s6, $0x627  }
.Ltmp7:
0xd4: {  	s6 =	sadd.s32 $0x19, s6;
	(pc) =	sbr.rel @p2 .LBB2_12-.Ltmp7, $2  }
0xd5: {  	_ =	sdelay $0x2  }
0xd6: {  	s12 =	sadd.s32 $0xD0, s12;
	s13 =	sadd.s32 s13, s0  }
0xd7: {  	[tilespmem:s1], [sflag:$0x1] =	stream.linear.gather [hbm4b:s13+s3], $0xC8, $0x38;
	[tilespmem:$0x10820] =	vst v63  }
.LBB2_14:
0xd8: {  	_ =	swait.ge [sflag:s16], $0x3200  }
0xd9: {  	[sflag:s16] =	ssyncset.done $0x0  }
0xda: {  	s0 =	simm.s32 @!p0 $0x4;
	[sflag:s16] =	ssyncadd.s32 $0xFFFFCE00  }
0xdb: {  	_ =	swait.ge @!p0 [sflag:s0], $0x1000  }
0xdc: {  	s1 =	sadd.s32 s22, s4;
	s24 =	simm.s32 $0x0;
	[sflag:s0] =	ssyncset.done @!p0 $0x0  }
0xdd: {  	s25 =	simm.s32 $0xB420;
	s23 =	sadd.s32 $0x40, s1;
	[sflag:s0] =	ssyncadd.s32 @!p0 $0xFFFFF000  }
.LBB2_15:
0xde: {  	v4 =	vmov s25;
	_ =	sdelay $0x3  }
0xdf: {  	s0 =	simm.s32 $0x0  }
0xe0: {  	v5 =	vld.idx.msk [tilespmem:v4+s0+$0x0 ss:$0x1], $0xffff;
	_ =	sdelay $0x4  }
0xe1: {  	v5 =	vshll.u32 v5, $0x7  }
0xe2: {  	v5 =	vshra.s32 v5, $0x2  }
0xe3: {  	(v2sf) =	vpush v5, $0x9  }
0xe4: {  	(v2sf) =	vpush v5, $0x8;
	_ =	sdelay $0x1  }
0xe5: {  	(v2sf) =	vpush v5, $0x7  }
0xe6: {  	(v2sf) =	vpush v5, $0xE;
	_ =	sdelay $0x1  }
0xe7: {  	(v2sf) =	vpush v5, $0x4  }
0xe8: {  	(v2sf) =	vpush v5, $0x5  }
0xe9: {  	(v2sf) =	vpush v5, $0x6;
	_ =	sdelay $0x2  }
0xea: {  	(v2sf) =	vpush v5, $0xF  }
0xeb: {  	(v2sf) =	vpush v5, $0x3  }
0xec: {  	(v2sf) =	vpush v5, $0xD  }
0xed: {  	s13 =	simm.s32 $0x10;
	(v2sf) =	vpush v5, $0xC  }
0xee: {  	v6 =	vld.idx.msk [tilespmem:v4+s13+$0x0 ss:$0x1], $0xffff;
	(v2sf) =	vpush v5, $0x2;
	s1 =	spop (v2sf)  }
0xef: {  	(v2sf) =	vpush v5, $0x0;
	s18 =	spop (v2sf);
	v25 =	vld [tilespmem:s1+$0x0]  }
0xf0: {  	(v2sf) =	vpush v5, $0xA;
	v8 =	vld [tilespmem:s18+$0x10]  }
0xf1: {  	s6 =	spop (v2sf);
	v9 =	vld [tilespmem:s18+$0x0]  }
0xf2: {  	s19 =	spop (v2sf);
	v12 =	vld [tilespmem:s6+$0x10]  }
0xf3: {  	v10 =	vld [tilespmem:s19+$0x0]  }
0xf4: {  	s12 =	spop (v2sf);
	v11 =	vld [tilespmem:s19+$0x10]  }
0xf5: {  	(v2sf) =	vpush v5, $0x1;
	s26 =	spop (v2sf);
	v7 =	vld [tilespmem:s12+$0x10]  }
0xf6: {  	v26 =	vld [tilespmem:s12+$0x0];
	s20 =	spop (v2sf);
	(v2sf) =	vpush v5, $0xB  }
0xf7: {  	v5 =	vld [tilespmem:s6+$0x0]  }
0xf8: {  	v6 =	vshll.u32 v6, $0x7;
	v19 =	vld [tilespmem:s20+$0x0]  }
0xf9: {  	v16 =	vshra.s32 v6, $0x2;
	s30 =	spop (v2sf);
	v6 =	vld [tilespmem:s20+$0x10]  }
0xfa: {  	v14 =	vld [tilespmem:s30+$0x10];
	s13 =	spop (v2sf)  }
0xfb: {  	v15 =	vld [tilespmem:s30+$0x0];
	s31 =	spop (v2sf)  }
0xfc: {  	v17 =	vld [tilespmem:s13+$0x0];
	s18 =	spop (v2sf)  }
0xfd: {  	v30 =	vld [tilespmem:s13+$0x10];
	s19 =	spop (v2sf)  }
0xfe: {  	v18 =	vld [tilespmem:s31+$0x10];
	s28 =	spop (v2sf)  }
0xff: {  	v28 =	vld [tilespmem:s18+$0x0];
	s29 =	spop (v2sf);
	(v2sf) =	vpush v16, $0x9  }
0x100: {  	v13 =	vld [tilespmem:s19+$0x10];
	v22 =	vadd.bf16 v5, v19;
	(v2sf) =	vpush v16, $0x8  }
0x101: {  	v19 =	vadd.bf16 v25, v9;
	v9 =	vld [tilespmem:s26+$0x0];
	(v2sf) =	vpush v16, $0x7  }
0x102: {  	v20 =	vadd.bf16 v15, v10;
	v10 =	vld [tilespmem:s1+$0x10];
	(v2sf) =	vpush v16, $0xE  }
0x103: {  	v15 =	vadd.bf16 v12, v6;
	v6 =	vld [tilespmem:s18+$0x10];
	(v2sf) =	vpush v16, $0x4  }
0x104: {  	v11 =	vadd.bf16 v14, v11;
	v14 =	vld [tilespmem:s28+$0x10];
	s30 =	spop (v2sf);
	(v2sf) =	vpush v16, $0x5  }
0x105: {  	v21 =	vld [tilespmem:s29+$0x10];
	(v2sf) =	vpush v16, $0x6;
	s20 =	spop (v2sf)  }
0x106: {  	v32 =	vadd.bf16 v9, v26;
	(v2sf) =	vpush v16, $0xF;
	v5 =	vld [tilespmem:s20+$0x10]  }
0x107: {  	v24 =	vld [tilespmem:s30+$0x10];
	v8 =	vadd.bf16 v10, v8;
	(v2sf) =	vpush v16, $0x3  }
0x108: {  	v25 =	vld [tilespmem:s31+$0x0];
	v9 =	vimm.f32 $0.0e+00;
	v6 =	vadd.bf16 v18, v6;
	(v2sf) =	vpush v16, $0xD  }
0x109: {  	v27 =	vld [tilespmem:s19+$0x0];
	v18 =	vimm.f32 $0.0e+00;
	v10 =	vimm.f32 $0.0e+00;
	(v2sf) =	vpush v16, $0xC  }
0x10a: {  	v31 =	vld [tilespmem:s28+$0x0];
	v12 =	vadd.bf16 v11, v6;
	v11 =	vimm.f32 $0.0e+00;
	(v2sf) =	vpush v16, $0x2  }
0x10b: {  	s31 =	smul.u32 $0x340, s24;
	v23 =	vld [tilespmem:s30+$0x0];
	v6 =	vimm.f32 $0.0e+00;
	(v2sf) =	vpush v16, $0x0;
	v5 =	vadd.bf16 v5, v21  }
0x10c: {  	v26 =	vld [tilespmem:s29+$0x0];
	v24 =	vadd.bf16 v24, v14;
	v14 =	vimm.f32 $0.0e+00;
	(v2sf) =	vpush v16, $0xA  }
0x10d: {  	s0 =	simm.s32 $0x80;
	s28 =	sshra.s32 s31, $0x2;
	v29 =	vld [tilespmem:s20+$0x0];
	v21 =	vadd.bf16 v5, v8;
	v8 =	vimm.f32 $0.0e+00;
	v5 =	vimm.f32 $0.0e+00  }
.LBB2_16:
0x10e: {  	s1 =	sshra.s32 s0, $0x2  }
0x10f: {  	(v2sf) =	vpush v16, $0x1;
	s30 =	spop (v2sf);
	v33 =	vld [tilespmem:s26+$0x10];
	v25 =	vadd.bf16 v25, v28;
	s6 =	smov.u32 s0;
	s29 =	sadd.s32 $0x40, s0  }
0x110: {  	p0 =	sne.s32 s0, $0x2C0;
	v17 =	vadd.bf16 v17, v27;
	v28 =	vld.idx.msk [tilespmem:v4+s1+$0x0 ss:$0x1], $0xffff;
	s0 =	spop (v2sf);
	v23 =	vadd.bf16 v23, v31  }
0x111: {  	v22 =	vadd.bf16 v22, v32;
	v31 =	vld [tilespmem:s0+$0x10];
	s6 =	spop (v2sf);
	v20 =	vadd.bf16 v20, v25  }
0x112: {  	v13 =	vadd.bf16 v30, v13;
	v27 =	vld [tilespmem:s0+$0x0];
	s0 =	spop (v2sf);
	v17 =	vadd.bf16 v17, v23  }
0x113: {  	v25 =	vshll.u32 v22, $0x10;
	v23 =	vld [tilespmem:s0+$0x0];
	s1 =	spop (v2sf);
	v26 =	vadd.bf16 v29, v26;
	v29 =	vand.u32 $0xFFFF0000, v20  }
0x114: {  	v22 =	vand.u32 $0xFFFF0000, v22;
	v13 =	vadd.bf16 v13, v24;
	v30 =	vld [tilespmem:s0+$0x10];
	s26 =	spop (v2sf);
	v24 =	vand.u32 $0xFFFF0000, v17  }
0x115: {  	v32 =	vld [tilespmem:s6+$0x10];
	s19 =	spop (v2sf);
	(v2sf) =	vpush v16, $0xB;
	v16 =	vadd.f32 v22, v18;
	v18 =	vshll.u32 v21, $0x10  }
0x116: {  	v7 =	vadd.bf16 v33, v7;
	v34 =	vshll.u32 v13, $0x10;
	v13 =	vand.u32 $0xFFFF0000, v13;
	v22 =	vld [tilespmem:s6+$0x0];
	s0 =	spop (v2sf)  }
0x117: {  	v17 =	vshll.u32 v17, $0x10;
	v19 =	vadd.bf16 v26, v19;
	v11 =	vadd.f32 v34, v11;
	v33 =	vld [tilespmem:s0+$0x10];
	s31 =	spop (v2sf)  }
0x118: {  	v14 =	vadd.f32 v25, v14;
	v10 =	vadd.f32 v13, v10;
	v26 =	vld [tilespmem:s0+$0x0];
	s18 =	spop (v2sf)  }
0x119: {  	v7 =	vadd.bf16 v15, v7;
	v13 =	vand.u32 $0xFFFF0000, v21;
	v11 =	vadd.f32 v18, v11;
	v34 =	vld [tilespmem:s18+$0x10];
	s12 =	spop (v2sf)  }
0x11a: {  	v21 =	vshll.u32 v19, $0x10;
	v10 =	vadd.f32 v13, v10;
	v18 =	vshll.u32 v20, $0x10;
	v15 =	vld [tilespmem:s19+$0x0];
	s0 =	spop (v2sf)  }
0x11b: {  	v9 =	vadd.f32 v17, v9;
	v20 =	vshll.u32 v7, $0x10;
	v25 =	vand.u32 $0xFFFF0000, v7;
	v13 =	vld [tilespmem:s0+$0x10];
	s13 =	spop (v2sf)  }
0x11c: {  	v19 =	vand.u32 $0xFFFF0000, v19;
	v14 =	vadd.f32 v18, v14;
	v7 =	vld [tilespmem:s1+$0x10];
	v33 =	vadd.bf16 v33, v30;
	s6 =	spop (v2sf)  }
0x11d: {  	v8 =	vadd.f32 v20, v8;
	v18 =	vadd.f32 v29, v16;
	v29 =	vand.u32 $0xFFFF0000, v12;
	v17 =	vld [tilespmem:s31+$0x0]  }
0x11e: {  	v9 =	vadd.f32 v21, v9;
	v12 =	vshll.u32 v12, $0x10;
	v20 =	vadd.bf16 v26, v23;
	v30 =	vld [tilespmem:s6+$0x10];
	s20 =	spop (v2sf)  }
0x11f: {  	v6 =	vadd.f32 v24, v6;
	v16 =	vshll.u32 v28, $0x7;
	v8 =	vadd.f32 v12, v8;
	v21 =	vld [tilespmem:s19+$0x10]  }
0x120: {  	v5 =	vadd.f32 v25, v5;
	v16 =	vshra.s32 v16, $0x2;
	v22 =	vadd.bf16 v22, v15;
	v12 =	vld [tilespmem:s20+$0x10]  }
0x121: {  	v6 =	vadd.f32 v19, v6;
	(v2sf) =	vpush v16, $0x9;
	v35 =	vld [tilespmem:s1+$0x0]  }
0x122: {  	v5 =	vadd.f32 v29, v5;
	(v2sf) =	vpush v16, $0x8;
	v23 =	vld [tilespmem:s20+$0x0]  }
0x123: {  	(v2sf) =	vpush v16, $0x7;
	v19 =	vld [tilespmem:s30+$0x0]  }
0x124: {  	(v2sf) =	vpush v16, $0xE;
	v26 =	vld [tilespmem:s30+$0x10];
	s1 =	spop (v2sf)  }
0x125: {  	v15 =	vadd.bf16 v32, v21;
	(v2sf) =	vpush v16, $0x4;
	v24 =	vld [tilespmem:s13+$0x10]  }
0x126: {  	(v2sf) =	vpush v16, $0x5;
	v25 =	vld [tilespmem:s18+$0x0]  }
0x127: {  	(v2sf) =	vpush v16, $0x6;
	v21 =	vld [tilespmem:s1+$0x10]  }
0x128: {  	(v2sf) =	vpush v16, $0xF;
	v19 =	vadd.bf16 v19, v27;
	v29 =	vld [tilespmem:s12+$0x10]  }
0x129: {  	(v2sf) =	vpush v16, $0x3;
	v28 =	vld [tilespmem:s12+$0x0]  }
0x12a: {  	(v2sf) =	vpush v16, $0xD;
	v24 =	vadd.bf16 v12, v24;
	v12 =	vld [tilespmem:s26+$0x0]  }
.Ltmp8:
0x12b: {  	v32 =	vadd.bf16 v26, v31;
	(v2sf) =	vpush v16, $0xC;
	v27 =	vld [tilespmem:s0+$0x0];
	(pc) =	sbr.rel @p0 .LBB2_16-.Ltmp8, $4  }
0x12c: {  	(v2sf) =	vpush v16, $0x2;
	v31 =	vld [tilespmem:s13+$0x0];
	v21 =	vadd.bf16 v21, v30  }
0x12d: {  	(v2sf) =	vpush v16, $0x0;
	v30 =	vld [tilespmem:s31+$0x10];
	v34 =	vadd.bf16 v34, v29  }
0x12e: {  	(v2sf) =	vpush v16, $0xA;
	v26 =	vld [tilespmem:s6+$0x0];
	v21 =	vadd.bf16 v21, v32  }
0x12f: {  	s0 =	smov.u32 s29;
	v32 =	vadd.bf16 v12, v35;
	v29 =	vld [tilespmem:s1+$0x0];
	v12 =	vadd.bf16 v33, v34  }
0x130: {  	v4 =	vld [tilespmem:s26+$0x10]  }
0x131: {  	s0 =	spop (v2sf);
	v48 =	vld [tilespmem:s28+$0xB4E0]  }
0x132: {  	v40 =	vld [tilespmem:s0+$0x0]  }
0x133: {  	s1 =	spop (v2sf);
	v41 =	vld [tilespmem:s0+$0x10]  }
0x134: {  	v33 =	vld [tilespmem:s1+$0x10]  }
0x135: {  	s6 =	spop (v2sf);
	v34 =	vld [tilespmem:s1+$0x0]  }
0x136: {  	v37 =	vld [tilespmem:s6+$0x10]  }
0x137: {  	v25 =	vadd.bf16 v25, v28;
	s13 =	spop (v2sf);
	v38 =	vld [tilespmem:s6+$0x0]  }
0x138: {  	v17 =	vadd.bf16 v17, v27;
	(v2sf) =	vpush v16, $0x1;
	v35 =	vld [tilespmem:s13+$0x0]  }
0x139: {  	v23 =	vadd.bf16 v23, v31;
	v22 =	vadd.bf16 v22, v32;
	s19 =	spop (v2sf);
	v36 =	vld [tilespmem:s13+$0x10]  }
0x13a: {  	v13 =	vadd.bf16 v30, v13;
	v26 =	vadd.bf16 v29, v26;
	s26 =	spop (v2sf);
	v29 =	vld [tilespmem:s19+$0x10]  }
0x13b: {  	v20 =	vadd.bf16 v20, v25;
	v17 =	vadd.bf16 v17, v23;
	v49 =	vshll.u32 v22, $0x10;
	v61 =	vld [tilespmem:s19+$0x0];
	s20 =	spop (v2sf)  }
0x13c: {  	v22 =	vand.u32 $0xFFFF0000, v22;
	v55 =	vadd.f32 v49, v14;
	(v2sf) =	vpush v16, $0xB;
	v49 =	vld [tilespmem:s26+$0x0];
	s18 =	spop (v2sf)  }
0x13d: {  	v13 =	vadd.bf16 v13, v24;
	v18 =	vadd.f32 v22, v18;
	v51 =	vand.u32 $0xFFFF0000, v20;
	v39 =	vld [tilespmem:s18+$0x10];
	s29 =	spop (v2sf)  }
0x13e: {  	v20 =	vshll.u32 v20, $0x10;
	v4 =	vadd.bf16 v4, v7;
	v57 =	vshll.u32 v48, $0x7;
	v47 =	vld [tilespmem:s18+$0x0];
	s18 =	spop (v2sf)  }
0x13f: {  	v58 =	vshll.u32 v17, $0x10;
	v50 =	vshll.u32 v13, $0x10;
	v19 =	vadd.bf16 v26, v19;
	v27 =	vld [tilespmem:s20+$0x0];
	s6 =	spop (v2sf)  }
0x140: {  	v13 =	vand.u32 $0xFFFF0000, v13;
	v9 =	vadd.f32 v58, v9;
	v52 =	vadd.f32 v50, v11;
	v56 =	vld [tilespmem:s20+$0x10];
	s1 =	spop (v2sf)  }
0x141: {  	v23 =	vshra.s32 v57, $0x2;
	v10 =	vadd.f32 v13, v10;
	v13 =	vadd.f32 v20, v55;
	v55 =	vld [tilespmem:s26+$0x10];
	s13 =	spop (v2sf)  }
0x142: {  	v53 =	vshll.u32 v21, $0x10;
	v18 =	vadd.f32 v51, v18;
	v11 =	vld [tilespmem:s29+$0x0];
	s12 =	spop (v2sf);
	(v2sf) =	vpush v23, $0x0  }
0x143: {  	v17 =	vand.u32 $0xFFFF0000, v17;
	v4 =	vadd.bf16 v15, v4;
	v7 =	vadd.f32 v53, v52;
	v52 =	vld [tilespmem:s29+$0x10]  }
0x144: {  	v6 =	vadd.f32 v17, v6;
	v28 =	vld [tilespmem:s18+$0x10];
	(v2sf) =	vpush v23, $0x1  }
0x145: {  	v32 =	vadd.bf16 v40, v34;
	v63 =	vshll.u32 v4, $0x10;
	v4 =	vand.u32 $0xFFFF0000, v4;
	v44 =	vld [tilespmem:s18+$0x0]  }
0x146: {  	v60 =	vand.u32 $0xFFFF0000, v21;
	v4 =	vadd.f32 v4, v5;
	v5 =	vld [tilespmem:s6+$0x10];
	(v2sf) =	vpush v23, $0x2  }
0x147: {  	v20 =	vadd.bf16 v41, v33;
	v42 =	vshll.u32 v19, $0x10;
	v10 =	vadd.f32 v60, v10;
	v48 =	vld [tilespmem:s6+$0x0]  }
0x148: {  	v19 =	vand.u32 $0xFFFF0000, v19;
	v8 =	vadd.f32 v63, v8;
	v25 =	vld [tilespmem:s1+$0x10];
	(v2sf) =	vpush v23, $0x3  }
0x149: {  	v45 =	vshll.u32 v12, $0x10;
	v9 =	vadd.f32 v42, v9;
	v6 =	vadd.f32 v19, v6;
	v50 =	vld [tilespmem:s1+$0x0]  }
0x14a: {  	v8 =	vadd.f32 v45, v8;
	v43 =	vld [tilespmem:s13+$0x10];
	s30 =	spop (v2sf);
	(v2sf) =	vpush v23, $0x4  }
0x14b: {  	v27 =	vadd.bf16 v38, v27;
	v14 =	vadd.bf16 v37, v56;
	v54 =	vld [tilespmem:s12+$0x10];
	s31 =	spop (v2sf)  }
0x14c: {  	v22 =	vadd.bf16 v55, v29;
	(v2sf) =	vpush v23, $0x5;
	v46 =	vld [tilespmem:s31+$0x10]  }
0x14d: {  	v39 =	vadd.bf16 v39, v36;
	v16 =	vadd.bf16 v47, v35;
	v51 =	vld [tilespmem:s13+$0x0]  }
0x14e: {  	v47 =	vand.u32 $0xFFFF0000, v12;
	v12 =	vadd.bf16 v49, v61;
	v59 =	vld [tilespmem:s30+$0x10];
	(v2sf) =	vpush v23, $0x6  }
0x14f: {  	v4 =	vadd.f32 v47, v4;
	v53 =	vld [tilespmem:s12+$0x0];
	(v2sf) =	vpush v23, $0x7  }
0x150: {  	v14 =	vadd.bf16 v14, v22;
	v12 =	vadd.bf16 v27, v12;
	v62 =	vld [tilespmem:s30+$0x0]  }
0x151: {  	v5 =	vadd.bf16 v28, v5;
	v17 =	vadd.bf16 v46, v54;
	v54 =	vld [tilespmem:s31+$0x0];
	s13 =	spop (v2sf)  }
0x152: {  	v56 =	vadd.bf16 v44, v48;
	v11 =	vadd.bf16 v11, v50;
	v57 =	vld [tilespmem:s13+$0x0]  }
0x153: {  	v42 =	vshll.u32 v14, $0x10;
	v5 =	vadd.bf16 v39, v5;
	v15 =	vadd.bf16 v59, v43;
	v59 =	vld [tilespmem:s13+$0x10];
	s18 =	spop (v2sf)  }
0x154: {  	v14 =	vand.u32 $0xFFFF0000, v14;
	v58 =	vadd.bf16 v52, v25;
	v8 =	vadd.f32 v42, v8;
	v60 =	vld [tilespmem:s18+$0x0]  }
0x155: {  	v4 =	vadd.f32 v14, v4;
	v16 =	vadd.bf16 v16, v56;
	v47 =	vshll.u32 v5, $0x10;
	v61 =	vld [tilespmem:s18+$0x10];
	s19 =	spop (v2sf)  }
0x156: {  	v21 =	vadd.bf16 v62, v51;
	v62 =	vshll.u32 v12, $0x10;
	v12 =	vand.u32 $0xFFFF0000, v12;
	v63 =	vld [tilespmem:s19+$0x0]  }
0x157: {  	v33 =	vand.u32 $0xFFFF0000, v16;
	v8 =	vadd.f32 v47, v8;
	v12 =	vadd.f32 v12, v18;
	v35 =	vld [tilespmem:s19+$0x10];
	s20 =	spop (v2sf)  }
0x158: {  	v5 =	vand.u32 $0xFFFF0000, v5;
	v13 =	vadd.f32 v62, v13;
	v15 =	vadd.bf16 v58, v15;
	v36 =	vld [tilespmem:s20+$0x0]  }
0x159: {  	v16 =	vshll.u32 v16, $0x10;
	v4 =	vadd.f32 v5, v4;
	v11 =	vadd.bf16 v11, v21;
	v38 =	vld [tilespmem:s20+$0x10];
	s26 =	spop (v2sf)  }
0x15a: {  	v13 =	vadd.f32 v16, v13;
	v12 =	vadd.f32 v33, v12;
	v34 =	vshll.u32 v15, $0x10;
	v39 =	vld [tilespmem:s26+$0x0]  }
0x15b: {  	v15 =	vand.u32 $0xFFFF0000, v15;
	v40 =	vshll.u32 v11, $0x10;
	v17 =	vadd.bf16 v17, v20;
	v41 =	vld [tilespmem:s26+$0x10];
	s28 =	spop (v2sf)  }
0x15c: {  	v11 =	vand.u32 $0xFFFF0000, v11;
	v7 =	vadd.f32 v34, v7;
	v10 =	vadd.f32 v15, v10;
	v43 =	vld [tilespmem:s28+$0x0]  }
0x15d: {  	v9 =	vadd.f32 v40, v9;
	v37 =	vshll.u32 v17, $0x10;
	v20 =	vadd.bf16 v54, v53;
	v45 =	vld [tilespmem:s28+$0x10];
	s29 =	spop (v2sf)  }
0x15e: {  	v6 =	vadd.f32 v11, v6;
	v17 =	vand.u32 $0xFFFF0000, v17;
	v7 =	vadd.f32 v37, v7;
	v46 =	vld [tilespmem:s29+$0x0];
	s30 =	spop (v2sf)  }
0x15f: {  	v10 =	vadd.f32 v17, v10;
	v20 =	vadd.bf16 v20, v32;
	v49 =	vld [tilespmem:s30+$0x0]  }
0x160: {  	v23 =	vadd.bf16 v60, v57;
	v48 =	vld [tilespmem:s29+$0x10];
	v18 =	vadd.bf16 v36, v63  }
0x161: {  	v19 =	vadd.bf16 v61, v59;
	v44 =	vshll.u32 v20, $0x10;
	v51 =	vld [tilespmem:s30+$0x10];
	v15 =	vadd.bf16 v38, v35  }
0x162: {  	v20 =	vand.u32 $0xFFFF0000, v20;
	v9 =	vadd.f32 v44, v9;
	v50 =	vadd.bf16 v18, v23  }
0x163: {  	v6 =	vadd.f32 v20, v6;
	v15 =	vadd.bf16 v15, v19  }
0x164: {  	s31 =	sshll.u32 s24, $0x6;
	v52 =	vadd.bf16 v43, v39;
	v5 =	vshll.u32 v50, $0x10;
	v11 =	vadd.bf16 v49, v46  }
0x165: {  	v59 =	vor.u32 s31, v0;
	v16 =	vadd.bf16 v45, v41;
	v5 =	vadd.f32 v5, v9  }
0x166: {  	v61 =	vor.u32 s31, v1;
	v53 =	vadd.bf16 v51, v48;
	v9 =	vadd.bf16 v11, v52  }
0x167: {  	v14 =	vand.u32 $0xFFFF0000, v50;
	v54 =	vshll.u32 v15, $0x10;
	v55 =	vand.u32 $0xFFFF0000, v15  }
0x168: {  	v6 =	vadd.f32 v14, v6;
	v56 =	vadd.bf16 v53, v16;
	v57 =	vshll.u32 v9, $0x10  }
0x169: {  	v7 =	vadd.f32 v54, v7;
	v9 =	vand.u32 $0xFFFF0000, v9;
	v11 =	vadd.f32 v57, v13  }
0x16a: {  	v10 =	vadd.f32 v55, v10;
	v58 =	vshll.u32 v56, $0x10;
	v9 =	vadd.f32 v9, v12  }
0x16b: {  	v60 =	vand.u32 $0xFFFF0000, v56;
	v8 =	vadd.f32 v58, v8;
	v5 =	vadd.f32 v11, v5  }
0x16c: {  	s24 =	sadd.s32 $0x1, s24;
	v62 =	vor.u32 s31, v2;
	v4 =	vadd.f32 v60, v4;
	v6 =	vadd.f32 v9, v6  }
0x16d: {  	p0 =	sne.s32 s24, $0x40;
	v63 =	vor.u32 s31, v3;
	v7 =	vadd.f32 v8, v7;
	v5 =	vmul.f32 $4.999999890e-03, v5  }
.Ltmp9:
0x16e: {  	v4 =	vadd.f32 v4, v10;
	v6 =	vmul.f32 $4.999999890e-03, v6;
	(pc) =	sbr.rel @p0 .LBB2_15-.Ltmp9, $4  }
0x16f: {  	[tilespmem:v59+s17+$0x0] =	vst.idx.msk $0xffff, v5;
	v5 =	vmul.f32 $4.999999890e-03, v7  }
0x170: {  	v4 =	vmul.f32 $4.999999890e-03, v4;
	[tilespmem:v61+s17+$0x0] =	vst.idx.msk $0xffff, v6  }
0x171: {  	[tilespmem:v62+s17+$0x0] =	vst.idx.msk $0xffff, v5  }
0x172: {  	s25 =	sadd.s32 $0xD0, s25;
	[tilespmem:v63+s17+$0x0] =	vst.idx.msk $0xffff, v4  }
.Ltmp10:
0x173: {  	(pc) =	sbr.rel @p1 .LBB2_22-.Ltmp10, $4  }
0x174: {  	_ = 	snop  }
0x175: {  	s0 =	sshll.u32 s23, $0x3  }
0x176: {  	s0 =	sadd.s32 s2, s0  }
0x177: {  	[hbm4b:s0+s3] =	stream.linear.scatter [tilespmem:s17], [sflag:$0x4], $0x1000, $0x38;
	[tilespmem:$0x10820] =	vst v63  }
0x178: {  	s0 =	sadd.s32 s22, s11  }
0x179: {  	s0 =	smul.u32 $0x19, s0;
	_ =	sdelay $0x1  }
0x17a: {  	s1 =	simm.s32 $0xB420;
	s0 =	sadd.s32 s5, s0  }
0x17b: {  	s6 =	simm.s32 $0x19;
	s12 =	simm.s32 $0xB4F0;
	s13 =	sadd.s32 $0x0, s0  }
.LBB2_20:
0x17c: {  	[tilespmem:s1], [sflag:$0x2] =	stream.linear.gather [hbm4b:s13+s3], $0xC8, $0x38;
	[tilespmem:$0x10820] =	vst v63  }
0x17d: {  	s13 =	smov.u32 s6;
	s1 =	smov.u32 s12;
	p0 =	sne.s32 s6, $0x627  }
.Ltmp11:
0x17e: {  	s6 =	sadd.s32 $0x19, s6;
	(pc) =	sbr.rel @p0 .LBB2_20-.Ltmp11, $2  }
0x17f: {  	_ =	sdelay $0x2  }
0x180: {  	s12 =	sadd.s32 $0xD0, s12;
	s13 =	sadd.s32 s13, s0  }
.Ltmp12:
0x181: {  	(pc) =	sbr.rel .LBB2_6-.Ltmp12, $3  }
0x182: {  	_ =	sdelay $0x1  }
0x183: {  	[tilespmem:s1], [sflag:$0x2] =	stream.linear.gather [hbm4b:s13+s3], $0xC8, $0x38;
	[tilespmem:$0x10820] =	vst v63  }
0x184: {  	s21 =	sadd.s32 $0x1, s21  }
.LBB2_23:
0x185: {  	_ =	sfence.sel $0x180000  }
0x186: {  	[bflag:$0x0] =	sbarrier.arrive $0xFFFF  }
0x187: {  	_ =	strace $0x90000047  }
0x188: {  	s0 =	stileid.u32;
	[bflag:$0x2] =	sbarrier.arrive $0xFFFF  }
0x189: {  	p0 =	sne.s32 s0, $0x0;
	s0 =	rddreg [dreg:$0x2]  }
0x18a: {  	s0 =	sadd.s32 @!p0 $0x100000, s0  }
0x18b: {  	[sflag:s0] =	ssyncadd.tile.s32 @!p0 $0x1;
	_ =	shalt  }
.Lfunc_end2:
_tile_overlayer_lowered:
.L_overlay_start_2:
0x18c: {  	(tag) =	ssettag $0x2  }
0x18d: {  	s0 =	rddreg [dreg:$0x0];
	s2 =	stileid.u32  }
0x18e: {  	s1 =	rddreg [dreg:$0x1];
	p0 =	sne.s32 s2, $0x0  }
0x18f: {  	s3 =	rddreg [dreg:$0x2];
	[bflag:$0x3] =	sbarrier.arrive $0xFFFF;
	s2 =	simm.s32 @!p0 $0x1C05  }
0x190: {  	[timem:s3], [sflag:s2] =	dma.local @!p0 [hbm:s0], s1  }
0x191: {  	s0 =	simm.s32 @!p0 $0x5  }
0x192: {  	_ =	swait.ge @!p0 [sflag:s0], s1  }
0x193: {  	s1 =	ssub.s32 @!p0 $0x0, s1;
	[sflag:s0] =	ssyncset.done @!p0 $0x0  }
0x194: {  	[sflag:s0] =	ssyncadd.s32 @!p0 s1  }
0x195: {  	[bflag:$0x3] =	sbarrier.arrive $0xFFFF  }
0x196: {  	_ =	shalt  }

</sc_bundles>
